<compile_context>
chip_gen: v7x
topology: tpu7x:2x2x1
jax: 0.10.2.dev20260603
libtpu: 0.0.44.dev20260713+nightly
codegen_flags: <defaults>
</compile_context>

<pallas_src>
import functools

import jax
import jax.numpy as jnp
from jax import lax
from jax.experimental import pallas as pl
from jax.experimental.pallas import tpu as pltpu
from jax.experimental.pallas import tpu_sc as plsc

_NUM_GROUPS = 512
_GROUP_SIZE = 32

_NC, _NS = 2, 16
_NW = _NC * _NS


def _gather_rows_sc(feats, xyzp, idx, chunk=512):
    M = idx.shape[0]
    Df, Dx = feats.shape[1], xyzp.shape[1]
    b_per_w = M // _NW
    nchunks = b_per_w // chunk
    assert b_per_w % chunk == 0 and M % _NW == 0
    mesh = plsc.VectorSubcoreMesh(core_axis_name="c", subcore_axis_name="s")

    @functools.partial(
        pl.kernel,
        out_type=[
            jax.ShapeDtypeStruct((M, Df), jnp.float32),
            jax.ShapeDtypeStruct((M, Dx), jnp.float32),
        ],
        mesh=mesh,
        scratch_types=[
            pltpu.VMEM((b_per_w,), jnp.int32),
            pltpu.VMEM((2, chunk, Df), jnp.float32),
            pltpu.VMEM((2, chunk, Dx), jnp.float32),
            pltpu.SemaphoreType.DMA,
            pltpu.SemaphoreType.DMA,
        ],
        compiler_params=pltpu.CompilerParams(use_tc_tiling_on_sc=False),
    )
    def k(feats_hbm, xyzp_hbm, idx_hbm, of_hbm, ox_hbm,
          idx_v, frows, xrows, semf, semx):
        wid = lax.axis_index("s") * _NC + lax.axis_index("c")
        base = wid * b_per_w
        pltpu.sync_copy(idx_hbm.at[pl.ds(base, b_per_w)], idx_v)
        copies = [None] * nchunks
        for c in range(nchunks):
            ix = idx_v.at[pl.ds(c * chunk, chunk)]
            buf = c % 2
            copies[c] = (
                pltpu.async_copy(feats_hbm.at[ix], frows.at[buf], semf),
                pltpu.async_copy(xyzp_hbm.at[ix], xrows.at[buf], semx),
            )
            if c > 0:
                prev = c - 1
                for cp in copies[prev]:
                    cp.wait()
                sl = pl.ds(base + prev * chunk, chunk)
                pltpu.sync_copy(frows.at[prev % 2], of_hbm.at[sl])
                pltpu.sync_copy(xrows.at[prev % 2], ox_hbm.at[sl])
        last = nchunks - 1
        for cp in copies[last]:
            cp.wait()
        sl = pl.ds(base + last * chunk, chunk)
        pltpu.sync_copy(frows.at[last % 2], of_hbm.at[sl])
        pltpu.sync_copy(xrows.at[last % 2], ox_hbm.at[sl])

    return k(feats, xyzp, idx)


def _fps_centers_tc(xs, ys, zs, G, interpret=False):
    B, N = xs.shape

    def body(xs_ref, ys_ref, zs_ref, cx_ref, cy_ref, cz_ref):
        xs_, ys_, zs_ = xs_ref[...], ys_ref[...], zs_ref[...]
        iota_n = lax.broadcasted_iota(jnp.int32, (B, N), 1)
        iota_g = lax.broadcasted_iota(jnp.int32, (B, G), 1)

        def step(i, state):
            dists, far, cxa, cya, cza = state
            mask = iota_n == far
            cx = jnp.sum(jnp.where(mask, xs_, 0.0), axis=1, keepdims=True)
            cy = jnp.sum(jnp.where(mask, ys_, 0.0), axis=1, keepdims=True)
            cz = jnp.sum(jnp.where(mask, zs_, 0.0), axis=1, keepdims=True)
            gm = iota_g == i
            cxa = cxa + jnp.where(gm, cx, 0.0)
            cya = cya + jnp.where(gm, cy, 0.0)
            cza = cza + jnp.where(gm, cz, 0.0)
            dx = xs_ - cx
            dy = ys_ - cy
            dz = zs_ - cz
            d = dx * dx + dy * dy + dz * dz
            dists = jnp.minimum(dists, d)
            m = jnp.max(dists, axis=1, keepdims=True)
            far = jnp.min(jnp.where(dists == m, iota_n, N), axis=1,
                          keepdims=True)
            return dists, far, cxa, cya, cza

        dists0 = jnp.full((B, N), jnp.inf, jnp.float32)
        far0 = jnp.zeros((B, 1), jnp.int32)
        z = jnp.zeros((B, G), jnp.float32)
        _, _, cxa, cya, cza = lax.fori_loop(0, G, step,
                                            (dists0, far0, z, z, z))
        cx_ref[...] = cxa
        cy_ref[...] = cya
        cz_ref[...] = cza

    return pl.pallas_call(
        body,
        out_shape=[jax.ShapeDtypeStruct((B, G), jnp.float32)] * 3,
        interpret=interpret,
    )(xs, ys, zs)


def _knn_idx_tc(xyz, ct, K, gt=512, interpret=False):
    B, N, _ = xyz.shape
    G = ct.shape[2]

    def body(p_ref, c_ref, out_ref, d_ref):
        p = p_ref[0]
        c = c_ref[0]
        k2 = jnp.sum(p * p, axis=1, keepdims=True)
        q2 = jnp.sum(c * c, axis=0, keepdims=True)
        dot = jax.lax.dot_general(
            p, c, dimension_numbers=(((1,), (0,)), ((), ())),
            preferred_element_type=jnp.float32)
        d2 = q2 + k2 - 2.0 * dot
        d_ref[...] = jnp.sqrt(jnp.maximum(d2, 0.0))
        iota_n = lax.broadcasted_iota(jnp.int32, (N, gt), 0)
        iota_k = lax.broadcasted_iota(jnp.int32, (K, gt), 0)

        def step(k, acc):
            d_cur = d_ref[...]
            m = jnp.min(d_cur, axis=0, keepdims=True)
            hit = d_cur == m
            idx = jnp.min(jnp.where(hit, iota_n, N), axis=0,
                          keepdims=True)
            acc = acc + jnp.where(iota_k == k, idx, 0)
            d_ref[...] = jnp.where(iota_n == idx, jnp.inf, d_cur)
            return acc

        acc0 = jnp.zeros((K, gt), jnp.int32)
        out_ref[0] = lax.fori_loop(0, K, step, acc0)

    return pl.pallas_call(
        body,
        grid=(B, G // gt),
        in_specs=[
            pl.BlockSpec((1, N, 3), lambda b, g: (b, 0, 0)),
            pl.BlockSpec((1, 3, gt), lambda b, g: (b, 0, g)),
        ],
        out_specs=pl.BlockSpec((1, K, gt), lambda b, g: (b, 0, g)),
        out_shape=jax.ShapeDtypeStruct((B, K, G), jnp.int32),
        scratch_shapes=[pltpu.VMEM((N, gt), jnp.float32)],
        compiler_params=pltpu.CompilerParams(
            vmem_limit_bytes=110 * 1024 * 1024),
        interpret=interpret,
    )(xyz, ct)


def kernel(xyz, features):
    B, N, _ = xyz.shape
    C = features.shape[-1]
    G, K = _NUM_GROUPS, _GROUP_SIZE

    xt = xyz.transpose(0, 2, 1)
    cx, cy, cz = _fps_centers_tc(xt[:, 0], xt[:, 1], xt[:, 2], G)
    centers = jnp.stack([cx, cy, cz], axis=-1)
    ct = jnp.stack([cx, cy, cz], axis=1)
    knn_idx = _knn_idx_tc(xyz, ct, K).transpose(0, 2, 1)

    batch_offset = (jnp.arange(B, dtype=knn_idx.dtype) * N).reshape(-1, 1, 1)
    knn_idx_flat = (knn_idx + batch_offset).reshape(-1)

    xyzp = jnp.pad(xyz.reshape(-1, 3), ((0, 0), (0, 13)))
    nbr_feats, nbr_xyzp = _gather_rows_sc(
        features.reshape(-1, C), xyzp, knn_idx_flat)
    nbr_feats = nbr_feats.reshape(B, G, K, C)
    nbr_xyz = nbr_xyzp[:, :3].reshape(B, G, K, 3) - centers[:, :, None, :]
    group_feats = jnp.concatenate([nbr_xyz, nbr_feats], axis=-1)
    return group_feats, centers, knn_idx

# --- scband reference (transcript-rebuilt; emitter-appended) ---
"""Pipeline reference for scband-knngrouper-65000035057785 (READ-ONLY COPY).

The authoritative reference and input builder live on the scoring server;
editing this copy changes nothing except your own understanding.
"""

import jax, jax.numpy as jnp
import numpy as np

NUM_GROUPS = 512
GROUP_SIZE = 32


def setup_inputs(seed: int = 0) -> dict:
    key = jax.random.key(seed)
    k1, k2 = jax.random.split(key)
    xyz = jax.random.normal(k1, (8, 8192, 3), dtype=jnp.float32)
    features = jax.random.normal(k2, (8, 8192, 64), dtype=jnp.float32)
    return {"xyz": xyz, "features": features}


def _fps(xyz, K):
    # Deterministic farthest point sampling (use_random=False path),
    # starting from index 0, matching pytorch3d.sample_farthest_points defaults.
    B, N, _ = xyz.shape

    def body(i, state):
        idx, dists, farthest = state
        idx = idx.at[:, i].set(farthest)
        centroid = jnp.take_along_axis(xyz, farthest[:, None, None], axis=1)  # [B,1,3]
        d = jnp.sum((xyz - centroid) ** 2, axis=-1)  # [B,N]
        dists = jnp.minimum(dists, d)
        farthest = jnp.argmax(dists, axis=-1).astype(jnp.int32)
        return idx, dists, farthest

    idx0 = jnp.zeros((B, K), dtype=jnp.int32)
    dists0 = jnp.full((B, N), jnp.inf, dtype=jnp.float32)
    far0 = jnp.zeros((B,), dtype=jnp.int32)
    idx, _, _ = jax.lax.fori_loop(0, K, body, (idx0, dists0, far0))
    return idx


def _knn(centers, key_pts, k):
    # Euclidean cdist via ||q||^2 + ||k||^2 - 2 q.k, then k smallest
    q2 = jnp.sum(centers ** 2, axis=-1)[:, :, None]
    k2 = jnp.sum(key_pts ** 2, axis=-1)[:, None, :]
    d2 = q2 + k2 - 2.0 * jnp.einsum('bgd,bnd->bgn', centers, key_pts)
    d = jnp.sqrt(jnp.maximum(d2, 0.0))
    neg_d, idx = jax.lax.top_k(-d, k)  # k smallest distances
    return -neg_d, idx


def reference(xyz, features):
    B, N, _ = xyz.shape
    C = features.shape[-1]
    G, K = NUM_GROUPS, GROUP_SIZE

    # centers / knn_idx are computed under torch.no_grad() in the original
    fps_idx = _fps(xyz, G)  # [B, G]
    centers = jnp.take_along_axis(xyz, fps_idx[:, :, None], axis=1)  # [B, G, 3]
    centers = jax.lax.stop_gradient(centers)
    _, knn_idx = _knn(centers, xyz, K)  # [B, G, K]
    knn_idx = jax.lax.stop_gradient(knn_idx)

    batch_offset = (jnp.arange(B, dtype=knn_idx.dtype) * N).reshape(-1, 1, 1)
    knn_idx_flat = (knn_idx + batch_offset).reshape(-1)

    nbr_xyz = xyz.reshape(-1, 3)[knn_idx_flat].reshape(B, G, K, 3)
    nbr_xyz = nbr_xyz - centers[:, :, None, :]
    # radius is None -> no normalization
    nbr_feats = features.reshape(-1, C)[knn_idx_flat].reshape(B, G, K, C)
    group_feats = jnp.concatenate([nbr_xyz, nbr_feats], axis=-1)  # [B, G, K, 3+C]
    return group_feats, centers, knn_idx

if __name__ == "__main__":
    import jax
    _d = setup_inputs()
    print(jax.jit(kernel)(*tuple(_d.values())))

</pallas_src>

<mosaic_0001>
#map = affine_map<(d0, d1) -> (0, 0)>
#map1 = affine_map<(d0, d1) -> (0)>
module attributes {stable_mosaic.version = 14 : i64} {
  func.func @k(%arg0: i32, %arg1: i32, %arg2: memref<65536x64xf32, #tpu.memory_space<hbm>>, %arg3: memref<65536x16xf32, #tpu.memory_space<hbm>>, %arg4: memref<131072xi32, #tpu.memory_space<hbm>>, %arg5: memref<131072x64xf32, #tpu.memory_space<hbm>>, %arg6: memref<131072x16xf32, #tpu.memory_space<hbm>>, %arg7: memref<4096xi32, #tpu.memory_space<vmem>>, %arg8: memref<2x512x64xf32, #tpu.memory_space<vmem>>, %arg9: memref<2x512x16xf32, #tpu.memory_space<vmem>>, %arg10: memref<!tpu.dma_semaphore, #tpu.memory_space<semaphore_mem>>, %arg11: memref<!tpu.dma_semaphore, #tpu.memory_space<semaphore_mem>>) attributes {dimension_semantics = [#tpu.dimension_semantics<core_parallel>, #tpu.dimension_semantics<subcore_parallel>], iteration_bounds = array<i64: 2, 16>, scalar_prefetch = 0 : i64, scratch_operands = 5 : i64, tpu.core_type = #tpu.core_type<sc_vector_subcore>, window_params = [{transform_indices = #map}, {transform_indices = #map}, {transform_indices = #map1}, {transform_indices = #map}, {transform_indices = #map}]} {
    %mul3A = arith.constant 2 : i32
    %mul3A_0 = arith.muli %arg1, %mul3A : i32
    %add3A = arith.addi %mul3A_0, %arg0 : i32
    %mul3A_1 = arith.constant 4096 : i32
    %mul3A_2 = arith.muli %add3A, %mul3A_1 : i32
    "tpu.region"() ({
      %run_scoped3A_352 = tpu.sem_alloc : memref<!tpu.dma_semaphore, #tpu.memory_space<semaphore_mem>>
      %dma_start3A_353 = tpu.memref_slice %arg4[%mul3A_2] : memref<131072xi32, #tpu.memory_space<hbm>> -> memref<4096xi32, #tpu.memory_space<hbm>>
      %dma_start3A_354 = tpu.memref_slice %arg4[%mul3A_2] : memref<131072xi32, #tpu.memory_space<hbm>> -> memref<4096xi32, #tpu.memory_space<hbm>>
      tpu.enqueue_dma source(%dma_start3A_354 : memref<4096xi32, #tpu.memory_space<hbm>>) target(%arg7 : memref<4096xi32, #tpu.memory_space<vmem>>) target_semaphore(%run_scoped3A_352 : memref<!tpu.dma_semaphore, #tpu.memory_space<semaphore_mem>>)
      %dma_wait3A_355 = tpu.memref_slice %arg4[%mul3A_2] : memref<131072xi32, #tpu.memory_space<hbm>> -> memref<4096xi32, #tpu.memory_space<hbm>>
      %dma_wait3A_356 = tpu.memref_slice %arg4[%mul3A_2] : memref<131072xi32, #tpu.memory_space<hbm>> -> memref<4096xi32, #tpu.memory_space<hbm>>
      tpu.wait_dma2 semaphore(%run_scoped3A_352 : memref<!tpu.dma_semaphore, #tpu.memory_space<semaphore_mem>>) src(%dma_wait3A_356 : memref<4096xi32, #tpu.memory_space<hbm>>) dst(%arg7 : memref<4096xi32, #tpu.memory_space<vmem>>)
      tpu.yield
    }) : () -> ()
    %dma_start3A = arith.constant 0 : i32
    %dma_start3A_3 = arith.constant 0 : i32
    %dma_start3A_4 = arith.constant 0 : i32
    %dma_start3A_5 = tpu.memref_slice %arg8[%dma_start3A, %dma_start3A_3, %dma_start3A_4] : memref<2x512x64xf32, #tpu.memory_space<vmem>> -> memref<1x512x64xf32, #tpu.memory_space<vmem>>
    %dma_start3A_6 = tpu.memref_squeeze %dma_start3A_5 : memref<1x512x64xf32, #tpu.memory_space<vmem>> -> memref<512x64xf32, #tpu.memory_space<vmem>>
    %dma_start3A_7 = arith.constant 0 : i32
    %dma_start3A_8 = tpu.memref_slice %arg7[%dma_start3A_7] : memref<4096xi32, #tpu.memory_space<vmem>> -> memref<512xi32, #tpu.memory_space<vmem>>
    %dma_start3A_9 = arith.constant 0 : i32
    %dma_start3A_10 = arith.constant 0 : i32
    %dma_start3A_11 = tpu.memref_slice %arg2[%dma_start3A_9, %dma_start3A_10] : memref<65536x64xf32, #tpu.memory_space<hbm>> -> memref<65536x64xf32, #tpu.memory_space<hbm>>
    tpu.enqueue_indirect_dma source(%dma_start3A_11 : memref<65536x64xf32, #tpu.memory_space<hbm>>) target(%dma_start3A_6 : memref<512x64xf32, #tpu.memory_space<vmem>>) offsets(%dma_start3A_8 : memref<512xi32, #tpu.memory_space<vmem>>) semaphore(%arg10 : memref<!tpu.dma_semaphore, #tpu.memory_space<semaphore_mem>>)
    %dma_start3A_12 = arith.constant 0 : i32
    %dma_start3A_13 = arith.constant 0 : i32
    %dma_start3A_14 = arith.constant 0 : i32
    %dma_start3A_15 = tpu.memref_slice %arg9[%dma_start3A_12, %dma_start3A_13, %dma_start3A_14] : memref<2x512x16xf32, #tpu.memory_space<vmem>> -> memref<1x512x16xf32, #tpu.memory_space<vmem>>
    %dma_start3A_16 = tpu.memref_squeeze %dma_start3A_15 : memref<1x512x16xf32, #tpu.memory_space<vmem>> -> memref<512x16xf32, #tpu.memory_space<vmem>>
    %dma_start3A_17 = arith.constant 0 : i32
    %dma_start3A_18 = tpu.memref_slice %arg7[%dma_start3A_17] : memref<4096xi32, #tpu.memory_space<vmem>> -> memref<512xi32, #tpu.memory_space<vmem>>
    %dma_start3A_19 = arith.constant 0 : i32
    %dma_start3A_20 = arith.constant 0 : i32
    %dma_start3A_21 = tpu.memref_slice %arg3[%dma_start3A_19, %dma_start3A_20] : memref<65536x16xf32, #tpu.memory_space<hbm>> -> memref<65536x16xf32, #tpu.memory_space<hbm>>
    tpu.enqueue_indirect_dma source(%dma_start3A_21 : memref<65536x16xf32, #tpu.memory_space<hbm>>) target(%dma_start3A_16 : memref<512x16xf32, #tpu.memory_space<vmem>>) offsets(%dma_start3A_18 : memref<512xi32, #tpu.memory_space<vmem>>) semaphore(%arg11 : memref<!tpu.dma_semaphore, #tpu.memory_space<semaphore_mem>>)
    %dma_start3A_22 = arith.constant 1 : i32
    %dma_start3A_23 = arith.constant 0 : i32
    %dma_start3A_24 = arith.constant 0 : i32
    %dma_start3A_25 = tpu.memref_slice %arg8[%dma_start3A_22, %dma_start3A_23, %dma_start3A_24] : memref<2x512x64xf32, #tpu.memory_space<vmem>> -> memref<1x512x64xf32, #tpu.memory_space<vmem>>
    %dma_start3A_26 = tpu.memref_squeeze %dma_start3A_25 : memref<1x512x64xf32, #tpu.memory_space<vmem>> -> memref<512x64xf32, #tpu.memory_space<vmem>>
    %dma_start3A_27 = arith.constant 512 : i32
    %dma_start3A_28 = tpu.memref_slice %arg7[%dma_start3A_27] : memref<4096xi32, #tpu.memory_space<vmem>> -> memref<512xi32, #tpu.memory_space<vmem>>
    %dma_start3A_29 = arith.constant 0 : i32
    %dma_start3A_30 = arith.constant 0 : i32
    %dma_start3A_31 = tpu.memref_slice %arg2[%dma_start3A_29, %dma_start3A_30] : memref<65536x64xf32, #tpu.memory_space<hbm>> -> memref<65536x64xf32, #tpu.memory_space<hbm>>
    tpu.enqueue_indirect_dma source(%dma_start3A_31 : memref<65536x64xf32, #tpu.memory_space<hbm>>) target(%dma_start3A_26 : memref<512x64xf32, #tpu.memory_space<vmem>>) offsets(%dma_start3A_28 : memref<512xi32, #tpu.memory_space<vmem>>) semaphore(%arg10 : memref<!tpu.dma_semaphore, #tpu.memory_space<semaphore_mem>>)
    %dma_start3A_32 = arith.constant 1 : i32
    %dma_start3A_33 = arith.constant 0 : i32
    %dma_start3A_34 = arith.constant 0 : i32
    %dma_start3A_35 = tpu.memref_slice %arg9[%dma_start3A_32, %dma_start3A_33, %dma_start3A_34] : memref<2x512x16xf32, #tpu.memory_space<vmem>> -> memref<1x512x16xf32, #tpu.memory_space<vmem>>
    %dma_start3A_36 = tpu.memref_squeeze %dma_start3A_35 : memref<1x512x16xf32, #tpu.memory_space<vmem>> -> memref<512x16xf32, #tpu.memory_space<vmem>>
    %dma_start3A_37 = arith.constant 512 : i32
    %dma_start3A_38 = tpu.memref_slice %arg7[%dma_start3A_37] : memref<4096xi32, #tpu.memory_space<vmem>> -> memref<512xi32, #tpu.memory_space<vmem>>
    %dma_start3A_39 = arith.constant 0 : i32
    %dma_start3A_40 = arith.constant 0 : i32
    %dma_start3A_41 = tpu.memref_slice %arg3[%dma_start3A_39, %dma_start3A_40] : memref<65536x16xf32, #tpu.memory_space<hbm>> -> memref<65536x16xf32, #tpu.memory_space<hbm>>
    tpu.enqueue_indirect_dma source(%dma_start3A_41 : memref<65536x16xf32, #tpu.memory_space<hbm>>) target(%dma_start3A_36 : memref<512x16xf32, #tpu.memory_space<vmem>>) offsets(%dma_start3A_38 : memref<512xi32, #tpu.memory_space<vmem>>) semaphore(%arg11 : memref<!tpu.dma_semaphore, #tpu.memory_space<semaphore_mem>>)
    %dma_wait3A = arith.constant 0 : i32
    %dma_wait3A_42 = arith.constant 0 : i32
    %dma_wait3A_43 = arith.constant 0 : i32
    %dma_wait3A_44 = tpu.memref_slice %arg8[%dma_wait3A, %dma_wait3A_42, %dma_wait3A_43] : memref<2x512x64xf32, #tpu.memory_space<vmem>> -> memref<1x512x64xf32, #tpu.memory_space<vmem>>
    %dma_wait3A_45 = tpu.memref_squeeze %dma_wait3A_44 : memref<1x512x64xf32, #tpu.memory_space<vmem>> -> memref<512x64xf32, #tpu.memory_space<vmem>>
    %dma_wait3A_46 = arith.constant 0 : i32
    %dma_wait3A_47 = tpu.memref_slice %arg7[%dma_wait3A_46] : memref<4096xi32, #tpu.memory_space<vmem>> -> memref<512xi32, #tpu.memory_space<vmem>>
    %dma_wait3A_48 = arith.constant 0 : i32
    %dma_wait3A_49 = arith.constant 0 : i32
    %dma_wait3A_50 = tpu.memref_slice %arg2[%dma_wait3A_48, %dma_wait3A_49] : memref<65536x64xf32, #tpu.memory_space<hbm>> -> memref<65536x64xf32, #tpu.memory_space<hbm>>
    tpu.wait_indirect_dma semaphore(%arg10 : memref<!tpu.dma_semaphore, #tpu.memory_space<semaphore_mem>>) src(%dma_wait3A_50 : memref<65536x64xf32, #tpu.memory_space<hbm>>) dst(%dma_wait3A_45 : memref<512x64xf32, #tpu.memory_space<vmem>>)
    %dma_wait3A_51 = arith.constant 0 : i32
    %dma_wait3A_52 = arith.constant 0 : i32
    %dma_wait3A_53 = arith.constant 0 : i32
    %dma_wait3A_54 = tpu.memref_slice %arg9[%dma_wait3A_51, %dma_wait3A_52, %dma_wait3A_53] : memref<2x512x16xf32, #tpu.memory_space<vmem>> -> memref<1x512x16xf32, #tpu.memory_space<vmem>>
    %dma_wait3A_55 = tpu.memref_squeeze %dma_wait3A_54 : memref<1x512x16xf32, #tpu.memory_space<vmem>> -> memref<512x16xf32, #tpu.memory_space<vmem>>
    %dma_wait3A_56 = arith.constant 0 : i32
    %dma_wait3A_57 = tpu.memref_slice %arg7[%dma_wait3A_56] : memref<4096xi32, #tpu.memory_space<vmem>> -> memref<512xi32, #tpu.memory_space<vmem>>
    %dma_wait3A_58 = arith.constant 0 : i32
    %dma_wait3A_59 = arith.constant 0 : i32
    %dma_wait3A_60 = tpu.memref_slice %arg3[%dma_wait3A_58, %dma_wait3A_59] : memref<65536x16xf32, #tpu.memory_space<hbm>> -> memref<65536x16xf32, #tpu.memory_space<hbm>>
    tpu.wait_indirect_dma semaphore(%arg11 : memref<!tpu.dma_semaphore, #tpu.memory_space<semaphore_mem>>) src(%dma_wait3A_60 : memref<65536x16xf32, #tpu.memory_space<hbm>>) dst(%dma_wait3A_55 : memref<512x16xf32, #tpu.memory_space<vmem>>)
    %add3A_61 = arith.constant 0 : i32
    %add3A_62 = arith.addi %mul3A_2, %add3A_61 : i32
    %run_scoped3A = arith.constant 0 : i32
    "tpu.region"() ({
      %run_scoped3A_352 = tpu.sem_alloc : memref<!tpu.dma_semaphore, #tpu.memory_space<semaphore_mem>>
      %dma_start3A_353 = arith.constant 0 : i32
      %dma_start3A_354 = arith.constant 0 : i32
      %dma_start3A_355 = tpu.memref_slice %arg8[%run_scoped3A, %dma_start3A_353, %dma_start3A_354] : memref<2x512x64xf32, #tpu.memory_space<vmem>> -> memref<1x512x64xf32, #tpu.memory_space<vmem>>
      %dma_start3A_356 = tpu.memref_squeeze %dma_start3A_355 : memref<1x512x64xf32, #tpu.memory_space<vmem>> -> memref<512x64xf32, #tpu.memory_space<vmem>>
      %dma_start3A_357 = arith.constant 0 : i32
      %dma_start3A_358 = tpu.memref_slice %arg5[%add3A_62, %dma_start3A_357] : memref<131072x64xf32, #tpu.memory_space<hbm>> -> memref<512x64xf32, #tpu.memory_space<hbm>>
      %dma_start3A_359 = arith.constant 0 : i32
      %dma_start3A_360 = tpu.memref_slice %arg5[%add3A_62, %dma_start3A_359] : memref<131072x64xf32, #tpu.memory_space<hbm>> -> memref<512x64xf32, #tpu.memory_space<hbm>>
      %dma_start3A_361 = arith.constant 0 : i32
      %dma_start3A_362 = arith.constant 0 : i32
      %dma_start3A_363 = tpu.memref_slice %arg8[%run_scoped3A, %dma_start3A_361, %dma_start3A_362] : memref<2x512x64xf32, #tpu.memory_space<vmem>> -> memref<1x512x64xf32, #tpu.memory_space<vmem>>
      %dma_start3A_364 = tpu.memref_squeeze %dma_start3A_363 : memref<1x512x64xf32, #tpu.memory_space<vmem>> -> memref<512x64xf32, #tpu.memory_space<vmem>>
      tpu.enqueue_dma source(%dma_start3A_364 : memref<512x64xf32, #tpu.memory_space<vmem>>) target(%dma_start3A_360 : memref<512x64xf32, #tpu.memory_space<hbm>>) target_semaphore(%run_scoped3A_352 : memref<!tpu.dma_semaphore, #tpu.memory_space<semaphore_mem>>)
      %dma_wait3A_365 = arith.constant 0 : i32
      %dma_wait3A_366 = arith.constant 0 : i32
      %dma_wait3A_367 = tpu.memref_slice %arg8[%run_scoped3A, %dma_wait3A_365, %dma_wait3A_366] : memref<2x512x64xf32, #tpu.memory_space<vmem>> -> memref<1x512x64xf32, #tpu.memory_space<vmem>>
      %dma_wait3A_368 = tpu.memref_squeeze %dma_wait3A_367 : memref<1x512x64xf32, #tpu.memory_space<vmem>> -> memref<512x64xf32, #tpu.memory_space<vmem>>
      %dma_wait3A_369 = arith.constant 0 : i32
      %dma_wait3A_370 = tpu.memref_slice %arg5[%add3A_62, %dma_wait3A_369] : memref<131072x64xf32, #tpu.memory_space<hbm>> -> memref<512x64xf32, #tpu.memory_space<hbm>>
      %dma_wait3A_371 = arith.constant 0 : i32
      %dma_wait3A_372 = tpu.memref_slice %arg5[%add3A_62, %dma_wait3A_371] : memref<131072x64xf32, #tpu.memory_space<hbm>> -> memref<512x64xf32, #tpu.memory_space<hbm>>
      %dma_wait3A_373 = arith.constant 0 : i32
      %dma_wait3A_374 = arith.constant 0 : i32
      %dma_wait3A_375 = tpu.memref_slice %arg8[%run_scoped3A, %dma_wait3A_373, %dma_wait3A_374] : memref<2x512x64xf32, #tpu.memory_space<vmem>> -> memref<1x512x64xf32, #tpu.memory_space<vmem>>
      %dma_wait3A_376 = tpu.memref_squeeze %dma_wait3A_375 : memref<1x512x64xf32, #tpu.memory_space<vmem>> -> memref<512x64xf32, #tpu.memory_space<vmem>>
      tpu.wait_dma2 semaphore(%run_scoped3A_352 : memref<!tpu.dma_semaphore, #tpu.memory_space<semaphore_mem>>) src(%dma_wait3A_376 : memref<512x64xf32, #tpu.memory_space<vmem>>) dst(%dma_wait3A_372 : memref<512x64xf32, #tpu.memory_space<hbm>>)
      tpu.yield
    }) : () -> ()
    %run_scoped3A_63 = arith.constant 0 : i32
    "tpu.region"() ({
      %run_scoped3A_352 = tpu.sem_alloc : memref<!tpu.dma_semaphore, #tpu.memory_space<semaphore_mem>>
      %dma_start3A_353 = arith.constant 0 : i32
      %dma_start3A_354 = arith.constant 0 : i32
      %dma_start3A_355 = tpu.memref_slice %arg9[%run_scoped3A_63, %dma_start3A_353, %dma_start3A_354] : memref<2x512x16xf32, #tpu.memory_space<vmem>> -> memref<1x512x16xf32, #tpu.memory_space<vmem>>
      %dma_start3A_356 = tpu.memref_squeeze %dma_start3A_355 : memref<1x512x16xf32, #tpu.memory_space<vmem>> -> memref<512x16xf32, #tpu.memory_space<vmem>>
      %dma_start3A_357 = arith.constant 0 : i32
      %dma_start3A_358 = tpu.memref_slice %arg6[%add3A_62, %dma_start3A_357] : memref<131072x16xf32, #tpu.memory_space<hbm>> -> memref<512x16xf32, #tpu.memory_space<hbm>>
      %dma_start3A_359 = arith.constant 0 : i32
      %dma_start3A_360 = tpu.memref_slice %arg6[%add3A_62, %dma_start3A_359] : memref<131072x16xf32, #tpu.memory_space<hbm>> -> memref<512x16xf32, #tpu.memory_space<hbm>>
      %dma_start3A_361 = arith.constant 0 : i32
      %dma_start3A_362 = arith.constant 0 : i32
      %dma_start3A_363 = tpu.memref_slice %arg9[%run_scoped3A_63, %dma_start3A_361, %dma_start3A_362] : memref<2x512x16xf32, #tpu.memory_space<vmem>> -> memref<1x512x16xf32, #tpu.memory_space<vmem>>
      %dma_start3A_364 = tpu.memref_squeeze %dma_start3A_363 : memref<1x512x16xf32, #tpu.memory_space<vmem>> -> memref<512x16xf32, #tpu.memory_space<vmem>>
      tpu.enqueue_dma source(%dma_start3A_364 : memref<512x16xf32, #tpu.memory_space<vmem>>) target(%dma_start3A_360 : memref<512x16xf32, #tpu.memory_space<hbm>>) target_semaphore(%run_scoped3A_352 : memref<!tpu.dma_semaphore, #tpu.memory_space<semaphore_mem>>)
      %dma_wait3A_365 = arith.constant 0 : i32
      %dma_wait3A_366 = arith.constant 0 : i32
      %dma_wait3A_367 = tpu.memref_slice %arg9[%run_scoped3A_63, %dma_wait3A_365, %dma_wait3A_366] : memref<2x512x16xf32, #tpu.memory_space<vmem>> -> memref<1x512x16xf32, #tpu.memory_space<vmem>>
      %dma_wait3A_368 = tpu.memref_squeeze %dma_wait3A_367 : memref<1x512x16xf32, #tpu.memory_space<vmem>> -> memref<512x16xf32, #tpu.memory_space<vmem>>
      %dma_wait3A_369 = arith.constant 0 : i32
      %dma_wait3A_370 = tpu.memref_slice %arg6[%add3A_62, %dma_wait3A_369] : memref<131072x16xf32, #tpu.memory_space<hbm>> -> memref<512x16xf32, #tpu.memory_space<hbm>>
      %dma_wait3A_371 = arith.constant 0 : i32
      %dma_wait3A_372 = tpu.memref_slice %arg6[%add3A_62, %dma_wait3A_371] : memref<131072x16xf32, #tpu.memory_space<hbm>> -> memref<512x16xf32, #tpu.memory_space<hbm>>
      %dma_wait3A_373 = arith.constant 0 : i32
      %dma_wait3A_374 = arith.constant 0 : i32
      %dma_wait3A_375 = tpu.memref_slice %arg9[%run_scoped3A_63, %dma_wait3A_373, %dma_wait3A_374] : memref<2x512x16xf32, #tpu.memory_space<vmem>> -> memref<1x512x16xf32, #tpu.memory_space<vmem>>
      %dma_wait3A_376 = tpu.memref_squeeze %dma_wait3A_375 : memref<1x512x16xf32, #tpu.memory_space<vmem>> -> memref<512x16xf32, #tpu.memory_space<vmem>>
      tpu.wait_dma2 semaphore(%run_scoped3A_352 : memref<!tpu.dma_semaphore, #tpu.memory_space<semaphore_mem>>) src(%dma_wait3A_376 : memref<512x16xf32, #tpu.memory_space<vmem>>) dst(%dma_wait3A_372 : memref<512x16xf32, #tpu.memory_space<hbm>>)
      tpu.yield
    }) : () -> ()
    %dma_start3A_64 = arith.constant 0 : i32
    %dma_start3A_65 = arith.constant 0 : i32
    %dma_start3A_66 = arith.constant 0 : i32
    %dma_start3A_67 = tpu.memref_slice %arg8[%dma_start3A_64, %dma_start3A_65, %dma_start3A_66] : memref<2x512x64xf32, #tpu.memory_space<vmem>> -> memref<1x512x64xf32, #tpu.memory_space<vmem>>
    %dma_start3A_68 = tpu.memref_squeeze %dma_start3A_67 : memref<1x512x64xf32, #tpu.memory_space<vmem>> -> memref<512x64xf32, #tpu.memory_space<vmem>>
    %dma_start3A_69 = arith.constant 1024 : i32
    %dma_start3A_70 = tpu.memref_slice %arg7[%dma_start3A_69] : memref<4096xi32, #tpu.memory_space<vmem>> -> memref<512xi32, #tpu.memory_space<vmem>>
    %dma_start3A_71 = arith.constant 0 : i32
    %dma_start3A_72 = arith.constant 0 : i32
    %dma_start3A_73 = tpu.memref_slice %arg2[%dma_start3A_71, %dma_start3A_72] : memref<65536x64xf32, #tpu.memory_space<hbm>> -> memref<65536x64xf32, #tpu.memory_space<hbm>>
    tpu.enqueue_indirect_dma source(%dma_start3A_73 : memref<65536x64xf32, #tpu.memory_space<hbm>>) target(%dma_start3A_68 : memref<512x64xf32, #tpu.memory_space<vmem>>) offsets(%dma_start3A_70 : memref<512xi32, #tpu.memory_space<vmem>>) semaphore(%arg10 : memref<!tpu.dma_semaphore, #tpu.memory_space<semaphore_mem>>)
    %dma_start3A_74 = arith.constant 0 : i32
    %dma_start3A_75 = arith.constant 0 : i32
    %dma_start3A_76 = arith.constant 0 : i32
    %dma_start3A_77 = tpu.memref_slice %arg9[%dma_start3A_74, %dma_start3A_75, %dma_start3A_76] : memref<2x512x16xf32, #tpu.memory_space<vmem>> -> memref<1x512x16xf32, #tpu.memory_space<vmem>>
    %dma_start3A_78 = tpu.memref_squeeze %dma_start3A_77 : memref<1x512x16xf32, #tpu.memory_space<vmem>> -> memref<512x16xf32, #tpu.memory_space<vmem>>
    %dma_start3A_79 = arith.constant 1024 : i32
    %dma_start3A_80 = tpu.memref_slice %arg7[%dma_start3A_79] : memref<4096xi32, #tpu.memory_space<vmem>> -> memref<512xi32, #tpu.memory_space<vmem>>
    %dma_start3A_81 = arith.constant 0 : i32
    %dma_start3A_82 = arith.constant 0 : i32
    %dma_start3A_83 = tpu.memref_slice %arg3[%dma_start3A_81, %dma_start3A_82] : memref<65536x16xf32, #tpu.memory_space<hbm>> -> memref<65536x16xf32, #tpu.memory_space<hbm>>
    tpu.enqueue_indirect_dma source(%dma_start3A_83 : memref<65536x16xf32, #tpu.memory_space<hbm>>) target(%dma_start3A_78 : memref<512x16xf32, #tpu.memory_space<vmem>>) offsets(%dma_start3A_80 : memref<512xi32, #tpu.memory_space<vmem>>) semaphore(%arg11 : memref<!tpu.dma_semaphore, #tpu.memory_space<semaphore_mem>>)
    %dma_wait3A_84 = arith.constant 1 : i32
    %dma_wait3A_85 = arith.constant 0 : i32
    %dma_wait3A_86 = arith.constant 0 : i32
    %dma_wait3A_87 = tpu.memref_slice %arg8[%dma_wait3A_84, %dma_wait3A_85, %dma_wait3A_86] : memref<2x512x64xf32, #tpu.memory_space<vmem>> -> memref<1x512x64xf32, #tpu.memory_space<vmem>>
    %dma_wait3A_88 = tpu.memref_squeeze %dma_wait3A_87 : memref<1x512x64xf32, #tpu.memory_space<vmem>> -> memref<512x64xf32, #tpu.memory_space<vmem>>
    %dma_wait3A_89 = arith.constant 512 : i32
    %dma_wait3A_90 = tpu.memref_slice %arg7[%dma_wait3A_89] : memref<4096xi32, #tpu.memory_space<vmem>> -> memref<512xi32, #tpu.memory_space<vmem>>
    %dma_wait3A_91 = arith.constant 0 : i32
    %dma_wait3A_92 = arith.constant 0 : i32
    %dma_wait3A_93 = tpu.memref_slice %arg2[%dma_wait3A_91, %dma_wait3A_92] : memref<65536x64xf32, #tpu.memory_space<hbm>> -> memref<65536x64xf32, #tpu.memory_space<hbm>>
    tpu.wait_indirect_dma semaphore(%arg10 : memref<!tpu.dma_semaphore, #tpu.memory_space<semaphore_mem>>) src(%dma_wait3A_93 : memref<65536x64xf32, #tpu.memory_space<hbm>>) dst(%dma_wait3A_88 : memref<512x64xf32, #tpu.memory_space<vmem>>)
    %dma_wait3A_94 = arith.constant 1 : i32
    %dma_wait3A_95 = arith.constant 0 : i32
    %dma_wait3A_96 = arith.constant 0 : i32
    %dma_wait3A_97 = tpu.memref_slice %arg9[%dma_wait3A_94, %dma_wait3A_95, %dma_wait3A_96] : memref<2x512x16xf32, #tpu.memory_space<vmem>> -> memref<1x512x16xf32, #tpu.memory_space<vmem>>
    %dma_wait3A_98 = tpu.memref_squeeze %dma_wait3A_97 : memref<1x512x16xf32, #tpu.memory_space<vmem>> -> memref<512x16xf32, #tpu.memory_space<vmem>>
    %dma_wait3A_99 = arith.constant 512 : i32
    %dma_wait3A_100 = tpu.memref_slice %arg7[%dma_wait3A_99] : memref<4096xi32, #tpu.memory_space<vmem>> -> memref<512xi32, #tpu.memory_space<vmem>>
    %dma_wait3A_101 = arith.constant 0 : i32
    %dma_wait3A_102 = arith.constant 0 : i32
    %dma_wait3A_103 = tpu.memref_slice %arg3[%dma_wait3A_101, %dma_wait3A_102] : memref<65536x16xf32, #tpu.memory_space<hbm>> -> memref<65536x16xf32, #tpu.memory_space<hbm>>
    tpu.wait_indirect_dma semaphore(%arg11 : memref<!tpu.dma_semaphore, #tpu.memory_space<semaphore_mem>>) src(%dma_wait3A_103 : memref<65536x16xf32, #tpu.memory_space<hbm>>) dst(%dma_wait3A_98 : memref<512x16xf32, #tpu.memory_space<vmem>>)
    %add3A_104 = arith.constant 512 : i32
    %add3A_105 = arith.addi %mul3A_2, %add3A_104 : i32
    %run_scoped3A_106 = arith.constant 1 : i32
    "tpu.region"() ({
      %run_scoped3A_352 = tpu.sem_alloc : memref<!tpu.dma_semaphore, #tpu.memory_space<semaphore_mem>>
      %dma_start3A_353 = arith.constant 0 : i32
      %dma_start3A_354 = arith.constant 0 : i32
      %dma_start3A_355 = tpu.memref_slice %arg8[%run_scoped3A_106, %dma_start3A_353, %dma_start3A_354] : memref<2x512x64xf32, #tpu.memory_space<vmem>> -> memref<1x512x64xf32, #tpu.memory_space<vmem>>
      %dma_start3A_356 = tpu.memref_squeeze %dma_start3A_355 : memref<1x512x64xf32, #tpu.memory_space<vmem>> -> memref<512x64xf32, #tpu.memory_space<vmem>>
      %dma_start3A_357 = arith.constant 0 : i32
      %dma_start3A_358 = tpu.memref_slice %arg5[%add3A_105, %dma_start3A_357] : memref<131072x64xf32, #tpu.memory_space<hbm>> -> memref<512x64xf32, #tpu.memory_space<hbm>>
      %dma_start3A_359 = arith.constant 0 : i32
      %dma_start3A_360 = tpu.memref_slice %arg5[%add3A_105, %dma_start3A_359] : memref<131072x64xf32, #tpu.memory_space<hbm>> -> memref<512x64xf32, #tpu.memory_space<hbm>>
      %dma_start3A_361 = arith.constant 0 : i32
      %dma_start3A_362 = arith.constant 0 : i32
      %dma_start3A_363 = tpu.memref_slice %arg8[%run_scoped3A_106, %dma_start3A_361, %dma_start3A_362] : memref<2x512x64xf32, #tpu.memory_space<vmem>> -> memref<1x512x64xf32, #tpu.memory_space<vmem>>
      %dma_start3A_364 = tpu.memref_squeeze %dma_start3A_363 : memref<1x512x64xf32, #tpu.memory_space<vmem>> -> memref<512x64xf32, #tpu.memory_space<vmem>>
      tpu.enqueue_dma source(%dma_start3A_364 : memref<512x64xf32, #tpu.memory_space<vmem>>) target(%dma_start3A_360 : memref<512x64xf32, #tpu.memory_space<hbm>>) target_semaphore(%run_scoped3A_352 : memref<!tpu.dma_semaphore, #tpu.memory_space<semaphore_mem>>)
      %dma_wait3A_365 = arith.constant 0 : i32
      %dma_wait3A_366 = arith.constant 0 : i32
      %dma_wait3A_367 = tpu.memref_slice %arg8[%run_scoped3A_106, %dma_wait3A_365, %dma_wait3A_366] : memref<2x512x64xf32, #tpu.memory_space<vmem>> -> memref<1x512x64xf32, #tpu.memory_space<vmem>>
      %dma_wait3A_368 = tpu.memref_squeeze %dma_wait3A_367 : memref<1x512x64xf32, #tpu.memory_space<vmem>> -> memref<512x64xf32, #tpu.memory_space<vmem>>
      %dma_wait3A_369 = arith.constant 0 : i32
      %dma_wait3A_370 = tpu.memref_slice %arg5[%add3A_105, %dma_wait3A_369] : memref<131072x64xf32, #tpu.memory_space<hbm>> -> memref<512x64xf32, #tpu.memory_space<hbm>>
      %dma_wait3A_371 = arith.constant 0 : i32
      %dma_wait3A_372 = tpu.memref_slice %arg5[%add3A_105, %dma_wait3A_371] : memref<131072x64xf32, #tpu.memory_space<hbm>> -> memref<512x64xf32, #tpu.memory_space<hbm>>
      %dma_wait3A_373 = arith.constant 0 : i32
      %dma_wait3A_374 = arith.constant 0 : i32
      %dma_wait3A_375 = tpu.memref_slice %arg8[%run_scoped3A_106, %dma_wait3A_373, %dma_wait3A_374] : memref<2x512x64xf32, #tpu.memory_space<vmem>> -> memref<1x512x64xf32, #tpu.memory_space<vmem>>
      %dma_wait3A_376 = tpu.memref_squeeze %dma_wait3A_375 : memref<1x512x64xf32, #tpu.memory_space<vmem>> -> memref<512x64xf32, #tpu.memory_space<vmem>>
      tpu.wait_dma2 semaphore(%run_scoped3A_352 : memref<!tpu.dma_semaphore, #tpu.memory_space<semaphore_mem>>) src(%dma_wait3A_376 : memref<512x64xf32, #tpu.memory_space<vmem>>) dst(%dma_wait3A_372 : memref<512x64xf32, #tpu.memory_space<hbm>>)
      tpu.yield
    }) : () -> ()
    %run_scoped3A_107 = arith.constant 1 : i32
    "tpu.region"() ({
      %run_scoped3A_352 = tpu.sem_alloc : memref<!tpu.dma_semaphore, #tpu.memory_space<semaphore_mem>>
      %dma_start3A_353 = arith.constant 0 : i32
      %dma_start3A_354 = arith.constant 0 : i32
      %dma_start3A_355 = tpu.memref_slice %arg9[%run_scoped3A_107, %dma_start3A_353, %dma_start3A_354] : memref<2x512x16xf32, #tpu.memory_space<vmem>> -> memref<1x512x16xf32, #tpu.memory_space<vmem>>
      %dma_start3A_356 = tpu.memref_squeeze %dma_start3A_355 : memref<1x512x16xf32, #tpu.memory_space<vmem>> -> memref<512x16xf32, #tpu.memory_space<vmem>>
      %dma_start3A_357 = arith.constant 0 : i32
      %dma_start3A_358 = tpu.memref_slice %arg6[%add3A_105, %dma_start3A_357] : memref<131072x16xf32, #tpu.memory_space<hbm>> -> memref<512x16xf32, #tpu.memory_space<hbm>>
      %dma_start3A_359 = arith.constant 0 : i32
      %dma_start3A_360 = tpu.memref_slice %arg6[%add3A_105, %dma_start3A_359] : memref<131072x16xf32, #tpu.memory_space<hbm>> -> memref<512x16xf32, #tpu.memory_space<hbm>>
      %dma_start3A_361 = arith.constant 0 : i32
      %dma_start3A_362 = arith.constant 0 : i32
      %dma_start3A_363 = tpu.memref_slice %arg9[%run_scoped3A_107, %dma_start3A_361, %dma_start3A_362] : memref<2x512x16xf32, #tpu.memory_space<vmem>> -> memref<1x512x16xf32, #tpu.memory_space<vmem>>
      %dma_start3A_364 = tpu.memref_squeeze %dma_start3A_363 : memref<1x512x16xf32, #tpu.memory_space<vmem>> -> memref<512x16xf32, #tpu.memory_space<vmem>>
      tpu.enqueue_dma source(%dma_start3A_364 : memref<512x16xf32, #tpu.memory_space<vmem>>) target(%dma_start3A_360 : memref<512x16xf32, #tpu.memory_space<hbm>>) target_semaphore(%run_scoped3A_352 : memref<!tpu.dma_semaphore, #tpu.memory_space<semaphore_mem>>)
      %dma_wait3A_365 = arith.constant 0 : i32
      %dma_wait3A_366 = arith.constant 0 : i32
      %dma_wait3A_367 = tpu.memref_slice %arg9[%run_scoped3A_107, %dma_wait3A_365, %dma_wait3A_366] : memref<2x512x16xf32, #tpu.memory_space<vmem>> -> memref<1x512x16xf32, #tpu.memory_space<vmem>>
      %dma_wait3A_368 = tpu.memref_squeeze %dma_wait3A_367 : memref<1x512x16xf32, #tpu.memory_space<vmem>> -> memref<512x16xf32, #tpu.memory_space<vmem>>
      %dma_wait3A_369 = arith.constant 0 : i32
      %dma_wait3A_370 = tpu.memref_slice %arg6[%add3A_105, %dma_wait3A_369] : memref<131072x16xf32, #tpu.memory_space<hbm>> -> memref<512x16xf32, #tpu.memory_space<hbm>>
      %dma_wait3A_371 = arith.constant 0 : i32
      %dma_wait3A_372 = tpu.memref_slice %arg6[%add3A_105, %dma_wait3A_371] : memref<131072x16xf32, #tpu.memory_space<hbm>> -> memref<512x16xf32, #tpu.memory_space<hbm>>
      %dma_wait3A_373 = arith.constant 0 : i32
      %dma_wait3A_374 = arith.constant 0 : i32
      %dma_wait3A_375 = tpu.memref_slice %arg9[%run_scoped3A_107, %dma_wait3A_373, %dma_wait3A_374] : memref<2x512x16xf32, #tpu.memory_space<vmem>> -> memref<1x512x16xf32, #tpu.memory_space<vmem>>
      %dma_wait3A_376 = tpu.memref_squeeze %dma_wait3A_375 : memref<1x512x16xf32, #tpu.memory_space<vmem>> -> memref<512x16xf32, #tpu.memory_space<vmem>>
      tpu.wait_dma2 semaphore(%run_scoped3A_352 : memref<!tpu.dma_semaphore, #tpu.memory_space<semaphore_mem>>) src(%dma_wait3A_376 : memref<512x16xf32, #tpu.memory_space<vmem>>) dst(%dma_wait3A_372 : memref<512x16xf32, #tpu.memory_space<hbm>>)
      tpu.yield
    }) : () -> ()
    %dma_start3A_108 = arith.constant 1 : i32
    %dma_start3A_109 = arith.constant 0 : i32
    %dma_start3A_110 = arith.constant 0 : i32
    %dma_start3A_111 = tpu.memref_slice %arg8[%dma_start3A_108, %dma_start3A_109, %dma_start3A_110] : memref<2x512x64xf32, #tpu.memory_space<vmem>> -> memref<1x512x64xf32, #tpu.memory_space<vmem>>
    %dma_start3A_112 = tpu.memref_squeeze %dma_start3A_111 : memref<1x512x64xf32, #tpu.memory_space<vmem>> -> memref<512x64xf32, #tpu.memory_space<vmem>>
    %dma_start3A_113 = arith.constant 1536 : i32
    %dma_start3A_114 = tpu.memref_slice %arg7[%dma_start3A_113] : memref<4096xi32, #tpu.memory_space<vmem>> -> memref<512xi32, #tpu.memory_space<vmem>>
    %dma_start3A_115 = arith.constant 0 : i32
    %dma_start3A_116 = arith.constant 0 : i32
    %dma_start3A_117 = tpu.memref_slice %arg2[%dma_start3A_115, %dma_start3A_116] : memref<65536x64xf32, #tpu.memory_space<hbm>> -> memref<65536x64xf32, #tpu.memory_space<hbm>>
    tpu.enqueue_indirect_dma source(%dma_start3A_117 : memref<65536x64xf32, #tpu.memory_space<hbm>>) target(%dma_start3A_112 : memref<512x64xf32, #tpu.memory_space<vmem>>) offsets(%dma_start3A_114 : memref<512xi32, #tpu.memory_space<vmem>>) semaphore(%arg10 : memref<!tpu.dma_semaphore, #tpu.memory_space<semaphore_mem>>)
    %dma_start3A_118 = arith.constant 1 : i32
    %dma_start3A_119 = arith.constant 0 : i32
    %dma_start3A_120 = arith.constant 0 : i32
    %dma_start3A_121 = tpu.memref_slice %arg9[%dma_start3A_118, %dma_start3A_119, %dma_start3A_120] : memref<2x512x16xf32, #tpu.memory_space<vmem>> -> memref<1x512x16xf32, #tpu.memory_space<vmem>>
    %dma_start3A_122 = tpu.memref_squeeze %dma_start3A_121 : memref<1x512x16xf32, #tpu.memory_space<vmem>> -> memref<512x16xf32, #tpu.memory_space<vmem>>
    %dma_start3A_123 = arith.constant 1536 : i32
    %dma_start3A_124 = tpu.memref_slice %arg7[%dma_start3A_123] : memref<4096xi32, #tpu.memory_space<vmem>> -> memref<512xi32, #tpu.memory_space<vmem>>
    %dma_start3A_125 = arith.constant 0 : i32
    %dma_start3A_126 = arith.constant 0 : i32
    %dma_start3A_127 = tpu.memref_slice %arg3[%dma_start3A_125, %dma_start3A_126] : memref<65536x16xf32, #tpu.memory_space<hbm>> -> memref<65536x16xf32, #tpu.memory_space<hbm>>
    tpu.enqueue_indirect_dma source(%dma_start3A_127 : memref<65536x16xf32, #tpu.memory_space<hbm>>) target(%dma_start3A_122 : memref<512x16xf32, #tpu.memory_space<vmem>>) offsets(%dma_start3A_124 : memref<512xi32, #tpu.memory_space<vmem>>) semaphore(%arg11 : memref<!tpu.dma_semaphore, #tpu.memory_space<semaphore_mem>>)
    %dma_wait3A_128 = arith.constant 0 : i32
    %dma_wait3A_129 = arith.constant 0 : i32
    %dma_wait3A_130 = arith.constant 0 : i32
    %dma_wait3A_131 = tpu.memref_slice %arg8[%dma_wait3A_128, %dma_wait3A_129, %dma_wait3A_130] : memref<2x512x64xf32, #tpu.memory_space<vmem>> -> memref<1x512x64xf32, #tpu.memory_space<vmem>>
    %dma_wait3A_132 = tpu.memref_squeeze %dma_wait3A_131 : memref<1x512x64xf32, #tpu.memory_space<vmem>> -> memref<512x64xf32, #tpu.memory_space<vmem>>
    %dma_wait3A_133 = arith.constant 1024 : i32
    %dma_wait3A_134 = tpu.memref_slice %arg7[%dma_wait3A_133] : memref<4096xi32, #tpu.memory_space<vmem>> -> memref<512xi32, #tpu.memory_space<vmem>>
    %dma_wait3A_135 = arith.constant 0 : i32
    %dma_wait3A_136 = arith.constant 0 : i32
    %dma_wait3A_137 = tpu.memref_slice %arg2[%dma_wait3A_135, %dma_wait3A_136] : memref<65536x64xf32, #tpu.memory_space<hbm>> -> memref<65536x64xf32, #tpu.memory_space<hbm>>
    tpu.wait_indirect_dma semaphore(%arg10 : memref<!tpu.dma_semaphore, #tpu.memory_space<semaphore_mem>>) src(%dma_wait3A_137 : memref<65536x64xf32, #tpu.memory_space<hbm>>) dst(%dma_wait3A_132 : memref<512x64xf32, #tpu.memory_space<vmem>>)
    %dma_wait3A_138 = arith.constant 0 : i32
    %dma_wait3A_139 = arith.constant 0 : i32
    %dma_wait3A_140 = arith.constant 0 : i32
    %dma_wait3A_141 = tpu.memref_slice %arg9[%dma_wait3A_138, %dma_wait3A_139, %dma_wait3A_140] : memref<2x512x16xf32, #tpu.memory_space<vmem>> -> memref<1x512x16xf32, #tpu.memory_space<vmem>>
    %dma_wait3A_142 = tpu.memref_squeeze %dma_wait3A_141 : memref<1x512x16xf32, #tpu.memory_space<vmem>> -> memref<512x16xf32, #tpu.memory_space<vmem>>
    %dma_wait3A_143 = arith.constant 1024 : i32
    %dma_wait3A_144 = tpu.memref_slice %arg7[%dma_wait3A_143] : memref<4096xi32, #tpu.memory_space<vmem>> -> memref<512xi32, #tpu.memory_space<vmem>>
    %dma_wait3A_145 = arith.constant 0 : i32
    %dma_wait3A_146 = arith.constant 0 : i32
    %dma_wait3A_147 = tpu.memref_slice %arg3[%dma_wait3A_145, %dma_wait3A_146] : memref<65536x16xf32, #tpu.memory_space<hbm>> -> memref<65536x16xf32, #tpu.memory_space<hbm>>
    tpu.wait_indirect_dma semaphore(%arg11 : memref<!tpu.dma_semaphore, #tpu.memory_space<semaphore_mem>>) src(%dma_wait3A_147 : memref<65536x16xf32, #tpu.memory_space<hbm>>) dst(%dma_wait3A_142 : memref<512x16xf32, #tpu.memory_space<vmem>>)
    %add3A_148 = arith.constant 1024 : i32
    %add3A_149 = arith.addi %mul3A_2, %add3A_148 : i32
    %run_scoped3A_150 = arith.constant 0 : i32
    "tpu.region"() ({
      %run_scoped3A_352 = tpu.sem_alloc : memref<!tpu.dma_semaphore, #tpu.memory_space<semaphore_mem>>
      %dma_start3A_353 = arith.constant 0 : i32
      %dma_start3A_354 = arith.constant 0 : i32
      %dma_start3A_355 = tpu.memref_slice %arg8[%run_scoped3A_150, %dma_start3A_353, %dma_start3A_354] : memref<2x512x64xf32, #tpu.memory_space<vmem>> -> memref<1x512x64xf32, #tpu.memory_space<vmem>>
      %dma_start3A_356 = tpu.memref_squeeze %dma_start3A_355 : memref<1x512x64xf32, #tpu.memory_space<vmem>> -> memref<512x64xf32, #tpu.memory_space<vmem>>
      %dma_start3A_357 = arith.constant 0 : i32
      %dma_start3A_358 = tpu.memref_slice %arg5[%add3A_149, %dma_start3A_357] : memref<131072x64xf32, #tpu.memory_space<hbm>> -> memref<512x64xf32, #tpu.memory_space<hbm>>
      %dma_start3A_359 = arith.constant 0 : i32
      %dma_start3A_360 = tpu.memref_slice %arg5[%add3A_149, %dma_start3A_359] : memref<131072x64xf32, #tpu.memory_space<hbm>> -> memref<512x64xf32, #tpu.memory_space<hbm>>
      %dma_start3A_361 = arith.constant 0 : i32
      %dma_start3A_362 = arith.constant 0 : i32
      %dma_start3A_363 = tpu.memref_slice %arg8[%run_scoped3A_150, %dma_start3A_361, %dma_start3A_362] : memref<2x512x64xf32, #tpu.memory_space<vmem>> -> memref<1x512x64xf32, #tpu.memory_space<vmem>>
      %dma_start3A_364 = tpu.memref_squeeze %dma_start3A_363 : memref<1x512x64xf32, #tpu.memory_space<vmem>> -> memref<512x64xf32, #tpu.memory_space<vmem>>
      tpu.enqueue_dma source(%dma_start3A_364 : memref<512x64xf32, #tpu.memory_space<vmem>>) target(%dma_start3A_360 : memref<512x64xf32, #tpu.memory_space<hbm>>) target_semaphore(%run_scoped3A_352 : memref<!tpu.dma_semaphore, #tpu.memory_space<semaphore_mem>>)
      %dma_wait3A_365 = arith.constant 0 : i32
      %dma_wait3A_366 = arith.constant 0 : i32
      %dma_wait3A_367 = tpu.memref_slice %arg8[%run_scoped3A_150, %dma_wait3A_365, %dma_wait3A_366] : memref<2x512x64xf32, #tpu.memory_space<vmem>> -> memref<1x512x64xf32, #tpu.memory_space<vmem>>
      %dma_wait3A_368 = tpu.memref_squeeze %dma_wait3A_367 : memref<1x512x64xf32, #tpu.memory_space<vmem>> -> memref<512x64xf32, #tpu.memory_space<vmem>>
      %dma_wait3A_369 = arith.constant 0 : i32
      %dma_wait3A_370 = tpu.memref_slice %arg5[%add3A_149, %dma_wait3A_369] : memref<131072x64xf32, #tpu.memory_space<hbm>> -> memref<512x64xf32, #tpu.memory_space<hbm>>
      %dma_wait3A_371 = arith.constant 0 : i32
      %dma_wait3A_372 = tpu.memref_slice %arg5[%add3A_149, %dma_wait3A_371] : memref<131072x64xf32, #tpu.memory_space<hbm>> -> memref<512x64xf32, #tpu.memory_space<hbm>>
      %dma_wait3A_373 = arith.constant 0 : i32
      %dma_wait3A_374 = arith.constant 0 : i32
      %dma_wait3A_375 = tpu.memref_slice %arg8[%run_scoped3A_150, %dma_wait3A_373, %dma_wait3A_374] : memref<2x512x64xf32, #tpu.memory_space<vmem>> -> memref<1x512x64xf32, #tpu.memory_space<vmem>>
      %dma_wait3A_376 = tpu.memref_squeeze %dma_wait3A_375 : memref<1x512x64xf32, #tpu.memory_space<vmem>> -> memref<512x64xf32, #tpu.memory_space<vmem>>
      tpu.wait_dma2 semaphore(%run_scoped3A_352 : memref<!tpu.dma_semaphore, #tpu.memory_space<semaphore_mem>>) src(%dma_wait3A_376 : memref<512x64xf32, #tpu.memory_space<vmem>>) dst(%dma_wait3A_372 : memref<512x64xf32, #tpu.memory_space<hbm>>)
      tpu.yield
    }) : () -> ()
    %run_scoped3A_151 = arith.constant 0 : i32
    "tpu.region"() ({
      %run_scoped3A_352 = tpu.sem_alloc : memref<!tpu.dma_semaphore, #tpu.memory_space<semaphore_mem>>
      %dma_start3A_353 = arith.constant 0 : i32
      %dma_start3A_354 = arith.constant 0 : i32
      %dma_start3A_355 = tpu.memref_slice %arg9[%run_scoped3A_151, %dma_start3A_353, %dma_start3A_354] : memref<2x512x16xf32, #tpu.memory_space<vmem>> -> memref<1x512x16xf32, #tpu.memory_space<vmem>>
      %dma_start3A_356 = tpu.memref_squeeze %dma_start3A_355 : memref<1x512x16xf32, #tpu.memory_space<vmem>> -> memref<512x16xf32, #tpu.memory_space<vmem>>
      %dma_start3A_357 = arith.constant 0 : i32
      %dma_start3A_358 = tpu.memref_slice %arg6[%add3A_149, %dma_start3A_357] : memref<131072x16xf32, #tpu.memory_space<hbm>> -> memref<512x16xf32, #tpu.memory_space<hbm>>
      %dma_start3A_359 = arith.constant 0 : i32
      %dma_start3A_360 = tpu.memref_slice %arg6[%add3A_149, %dma_start3A_359] : memref<131072x16xf32, #tpu.memory_space<hbm>> -> memref<512x16xf32, #tpu.memory_space<hbm>>
      %dma_start3A_361 = arith.constant 0 : i32
      %dma_start3A_362 = arith.constant 0 : i32
      %dma_start3A_363 = tpu.memref_slice %arg9[%run_scoped3A_151, %dma_start3A_361, %dma_start3A_362] : memref<2x512x16xf32, #tpu.memory_space<vmem>> -> memref<1x512x16xf32, #tpu.memory_space<vmem>>
      %dma_start3A_364 = tpu.memref_squeeze %dma_start3A_363 : memref<1x512x16xf32, #tpu.memory_space<vmem>> -> memref<512x16xf32, #tpu.memory_space<vmem>>
      tpu.enqueue_dma source(%dma_start3A_364 : memref<512x16xf32, #tpu.memory_space<vmem>>) target(%dma_start3A_360 : memref<512x16xf32, #tpu.memory_space<hbm>>) target_semaphore(%run_scoped3A_352 : memref<!tpu.dma_semaphore, #tpu.memory_space<semaphore_mem>>)
      %dma_wait3A_365 = arith.constant 0 : i32
      %dma_wait3A_366 = arith.constant 0 : i32
      %dma_wait3A_367 = tpu.memref_slice %arg9[%run_scoped3A_151, %dma_wait3A_365, %dma_wait3A_366] : memref<2x512x16xf32, #tpu.memory_space<vmem>> -> memref<1x512x16xf32, #tpu.memory_space<vmem>>
      %dma_wait3A_368 = tpu.memref_squeeze %dma_wait3A_367 : memref<1x512x16xf32, #tpu.memory_space<vmem>> -> memref<512x16xf32, #tpu.memory_space<vmem>>
      %dma_wait3A_369 = arith.constant 0 : i32
      %dma_wait3A_370 = tpu.memref_slice %arg6[%add3A_149, %dma_wait3A_369] : memref<131072x16xf32, #tpu.memory_space<hbm>> -> memref<512x16xf32, #tpu.memory_space<hbm>>
      %dma_wait3A_371 = arith.constant 0 : i32
      %dma_wait3A_372 = tpu.memref_slice %arg6[%add3A_149, %dma_wait3A_371] : memref<131072x16xf32, #tpu.memory_space<hbm>> -> memref<512x16xf32, #tpu.memory_space<hbm>>
      %dma_wait3A_373 = arith.constant 0 : i32
      %dma_wait3A_374 = arith.constant 0 : i32
      %dma_wait3A_375 = tpu.memref_slice %arg9[%run_scoped3A_151, %dma_wait3A_373, %dma_wait3A_374] : memref<2x512x16xf32, #tpu.memory_space<vmem>> -> memref<1x512x16xf32, #tpu.memory_space<vmem>>
      %dma_wait3A_376 = tpu.memref_squeeze %dma_wait3A_375 : memref<1x512x16xf32, #tpu.memory_space<vmem>> -> memref<512x16xf32, #tpu.memory_space<vmem>>
      tpu.wait_dma2 semaphore(%run_scoped3A_352 : memref<!tpu.dma_semaphore, #tpu.memory_space<semaphore_mem>>) src(%dma_wait3A_376 : memref<512x16xf32, #tpu.memory_space<vmem>>) dst(%dma_wait3A_372 : memref<512x16xf32, #tpu.memory_space<hbm>>)
      tpu.yield
    }) : () -> ()
    %dma_start3A_152 = arith.constant 0 : i32
    %dma_start3A_153 = arith.constant 0 : i32
    %dma_start3A_154 = arith.constant 0 : i32
    %dma_start3A_155 = tpu.memref_slice %arg8[%dma_start3A_152, %dma_start3A_153, %dma_start3A_154] : memref<2x512x64xf32, #tpu.memory_space<vmem>> -> memref<1x512x64xf32, #tpu.memory_space<vmem>>
    %dma_start3A_156 = tpu.memref_squeeze %dma_start3A_155 : memref<1x512x64xf32, #tpu.memory_space<vmem>> -> memref<512x64xf32, #tpu.memory_space<vmem>>
    %dma_start3A_157 = arith.constant 2048 : i32
    %dma_start3A_158 = tpu.memref_slice %arg7[%dma_start3A_157] : memref<4096xi32, #tpu.memory_space<vmem>> -> memref<512xi32, #tpu.memory_space<vmem>>
    %dma_start3A_159 = arith.constant 0 : i32
    %dma_start3A_160 = arith.constant 0 : i32
    %dma_start3A_161 = tpu.memref_slice %arg2[%dma_start3A_159, %dma_start3A_160] : memref<65536x64xf32, #tpu.memory_space<hbm>> -> memref<65536x64xf32, #tpu.memory_space<hbm>>
    tpu.enqueue_indirect_dma source(%dma_start3A_161 : memref<65536x64xf32, #tpu.memory_space<hbm>>) target(%dma_start3A_156 : memref<512x64xf32, #tpu.memory_space<vmem>>) offsets(%dma_start3A_158 : memref<512xi32, #tpu.memory_space<vmem>>) semaphore(%arg10 : memref<!tpu.dma_semaphore, #tpu.memory_space<semaphore_mem>>)
    %dma_start3A_162 = arith.constant 0 : i32
    %dma_start3A_163 = arith.constant 0 : i32
    %dma_start3A_164 = arith.constant 0 : i32
    %dma_start3A_165 = tpu.memref_slice %arg9[%dma_start3A_162, %dma_start3A_163, %dma_start3A_164] : memref<2x512x16xf32, #tpu.memory_space<vmem>> -> memref<1x512x16xf32, #tpu.memory_space<vmem>>
    %dma_start3A_166 = tpu.memref_squeeze %dma_start3A_165 : memref<1x512x16xf32, #tpu.memory_space<vmem>> -> memref<512x16xf32, #tpu.memory_space<vmem>>
    %dma_start3A_167 = arith.constant 2048 : i32
    %dma_start3A_168 = tpu.memref_slice %arg7[%dma_start3A_167] : memref<4096xi32, #tpu.memory_space<vmem>> -> memref<512xi32, #tpu.memory_space<vmem>>
    %dma_start3A_169 = arith.constant 0 : i32
    %dma_start3A_170 = arith.constant 0 : i32
    %dma_start3A_171 = tpu.memref_slice %arg3[%dma_start3A_169, %dma_start3A_170] : memref<65536x16xf32, #tpu.memory_space<hbm>> -> memref<65536x16xf32, #tpu.memory_space<hbm>>
    tpu.enqueue_indirect_dma source(%dma_start3A_171 : memref<65536x16xf32, #tpu.memory_space<hbm>>) target(%dma_start3A_166 : memref<512x16xf32, #tpu.memory_space<vmem>>) offsets(%dma_start3A_168 : memref<512xi32, #tpu.memory_space<vmem>>) semaphore(%arg11 : memref<!tpu.dma_semaphore, #tpu.memory_space<semaphore_mem>>)
    %dma_wait3A_172 = arith.constant 1 : i32
    %dma_wait3A_173 = arith.constant 0 : i32
    %dma_wait3A_174 = arith.constant 0 : i32
    %dma_wait3A_175 = tpu.memref_slice %arg8[%dma_wait3A_172, %dma_wait3A_173, %dma_wait3A_174] : memref<2x512x64xf32, #tpu.memory_space<vmem>> -> memref<1x512x64xf32, #tpu.memory_space<vmem>>
    %dma_wait3A_176 = tpu.memref_squeeze %dma_wait3A_175 : memref<1x512x64xf32, #tpu.memory_space<vmem>> -> memref<512x64xf32, #tpu.memory_space<vmem>>
    %dma_wait3A_177 = arith.constant 1536 : i32
    %dma_wait3A_178 = tpu.memref_slice %arg7[%dma_wait3A_177] : memref<4096xi32, #tpu.memory_space<vmem>> -> memref<512xi32, #tpu.memory_space<vmem>>
    %dma_wait3A_179 = arith.constant 0 : i32
    %dma_wait3A_180 = arith.constant 0 : i32
    %dma_wait3A_181 = tpu.memref_slice %arg2[%dma_wait3A_179, %dma_wait3A_180] : memref<65536x64xf32, #tpu.memory_space<hbm>> -> memref<65536x64xf32, #tpu.memory_space<hbm>>
    tpu.wait_indirect_dma semaphore(%arg10 : memref<!tpu.dma_semaphore, #tpu.memory_space<semaphore_mem>>) src(%dma_wait3A_181 : memref<65536x64xf32, #tpu.memory_space<hbm>>) dst(%dma_wait3A_176 : memref<512x64xf32, #tpu.memory_space<vmem>>)
    %dma_wait3A_182 = arith.constant 1 : i32
    %dma_wait3A_183 = arith.constant 0 : i32
    %dma_wait3A_184 = arith.constant 0 : i32
    %dma_wait3A_185 = tpu.memref_slice %arg9[%dma_wait3A_182, %dma_wait3A_183, %dma_wait3A_184] : memref<2x512x16xf32, #tpu.memory_space<vmem>> -> memref<1x512x16xf32, #tpu.memory_space<vmem>>
    %dma_wait3A_186 = tpu.memref_squeeze %dma_wait3A_185 : memref<1x512x16xf32, #tpu.memory_space<vmem>> -> memref<512x16xf32, #tpu.memory_space<vmem>>
    %dma_wait3A_187 = arith.constant 1536 : i32
    %dma_wait3A_188 = tpu.memref_slice %arg7[%dma_wait3A_187] : memref<4096xi32, #tpu.memory_space<vmem>> -> memref<512xi32, #tpu.memory_space<vmem>>
    %dma_wait3A_189 = arith.constant 0 : i32
    %dma_wait3A_190 = arith.constant 0 : i32
    %dma_wait3A_191 = tpu.memref_slice %arg3[%dma_wait3A_189, %dma_wait3A_190] : memref<65536x16xf32, #tpu.memory_space<hbm>> -> memref<65536x16xf32, #tpu.memory_space<hbm>>
    tpu.wait_indirect_dma semaphore(%arg11 : memref<!tpu.dma_semaphore, #tpu.memory_space<semaphore_mem>>) src(%dma_wait3A_191 : memref<65536x16xf32, #tpu.memory_space<hbm>>) dst(%dma_wait3A_186 : memref<512x16xf32, #tpu.memory_space<vmem>>)
    %add3A_192 = arith.constant 1536 : i32
    %add3A_193 = arith.addi %mul3A_2, %add3A_192 : i32
    %run_scoped3A_194 = arith.constant 1 : i32
    "tpu.region"() ({
      %run_scoped3A_352 = tpu.sem_alloc : memref<!tpu.dma_semaphore, #tpu.memory_space<semaphore_mem>>
      %dma_start3A_353 = arith.constant 0 : i32
      %dma_start3A_354 = arith.constant 0 : i32
      %dma_start3A_355 = tpu.memref_slice %arg8[%run_scoped3A_194, %dma_start3A_353, %dma_start3A_354] : memref<2x512x64xf32, #tpu.memory_space<vmem>> -> memref<1x512x64xf32, #tpu.memory_space<vmem>>
      %dma_start3A_356 = tpu.memref_squeeze %dma_start3A_355 : memref<1x512x64xf32, #tpu.memory_space<vmem>> -> memref<512x64xf32, #tpu.memory_space<vmem>>
      %dma_start3A_357 = arith.constant 0 : i32
      %dma_start3A_358 = tpu.memref_slice %arg5[%add3A_193, %dma_start3A_357] : memref<131072x64xf32, #tpu.memory_space<hbm>> -> memref<512x64xf32, #tpu.memory_space<hbm>>
      %dma_start3A_359 = arith.constant 0 : i32
      %dma_start3A_360 = tpu.memref_slice %arg5[%add3A_193, %dma_start3A_359] : memref<131072x64xf32, #tpu.memory_space<hbm>> -> memref<512x64xf32, #tpu.memory_space<hbm>>
      %dma_start3A_361 = arith.constant 0 : i32
      %dma_start3A_362 = arith.constant 0 : i32
      %dma_start3A_363 = tpu.memref_slice %arg8[%run_scoped3A_194, %dma_start3A_361, %dma_start3A_362] : memref<2x512x64xf32, #tpu.memory_space<vmem>> -> memref<1x512x64xf32, #tpu.memory_space<vmem>>
      %dma_start3A_364 = tpu.memref_squeeze %dma_start3A_363 : memref<1x512x64xf32, #tpu.memory_space<vmem>> -> memref<512x64xf32, #tpu.memory_space<vmem>>
      tpu.enqueue_dma source(%dma_start3A_364 : memref<512x64xf32, #tpu.memory_space<vmem>>) target(%dma_start3A_360 : memref<512x64xf32, #tpu.memory_space<hbm>>) target_semaphore(%run_scoped3A_352 : memref<!tpu.dma_semaphore, #tpu.memory_space<semaphore_mem>>)
      %dma_wait3A_365 = arith.constant 0 : i32
      %dma_wait3A_366 = arith.constant 0 : i32
      %dma_wait3A_367 = tpu.memref_slice %arg8[%run_scoped3A_194, %dma_wait3A_365, %dma_wait3A_366] : memref<2x512x64xf32, #tpu.memory_space<vmem>> -> memref<1x512x64xf32, #tpu.memory_space<vmem>>
      %dma_wait3A_368 = tpu.memref_squeeze %dma_wait3A_367 : memref<1x512x64xf32, #tpu.memory_space<vmem>> -> memref<512x64xf32, #tpu.memory_space<vmem>>
      %dma_wait3A_369 = arith.constant 0 : i32
      %dma_wait3A_370 = tpu.memref_slice %arg5[%add3A_193, %dma_wait3A_369] : memref<131072x64xf32, #tpu.memory_space<hbm>> -> memref<512x64xf32, #tpu.memory_space<hbm>>
      %dma_wait3A_371 = arith.constant 0 : i32
      %dma_wait3A_372 = tpu.memref_slice %arg5[%add3A_193, %dma_wait3A_371] : memref<131072x64xf32, #tpu.memory_space<hbm>> -> memref<512x64xf32, #tpu.memory_space<hbm>>
      %dma_wait3A_373 = arith.constant 0 : i32
      %dma_wait3A_374 = arith.constant 0 : i32
      %dma_wait3A_375 = tpu.memref_slice %arg8[%run_scoped3A_194, %dma_wait3A_373, %dma_wait3A_374] : memref<2x512x64xf32, #tpu.memory_space<vmem>> -> memref<1x512x64xf32, #tpu.memory_space<vmem>>
      %dma_wait3A_376 = tpu.memref_squeeze %dma_wait3A_375 : memref<1x512x64xf32, #tpu.memory_space<vmem>> -> memref<512x64xf32, #tpu.memory_space<vmem>>
      tpu.wait_dma2 semaphore(%run_scoped3A_352 : memref<!tpu.dma_semaphore, #tpu.memory_space<semaphore_mem>>) src(%dma_wait3A_376 : memref<512x64xf32, #tpu.memory_space<vmem>>) dst(%dma_wait3A_372 : memref<512x64xf32, #tpu.memory_space<hbm>>)
      tpu.yield
    }) : () -> ()
    %run_scoped3A_195 = arith.constant 1 : i32
    "tpu.region"() ({
      %run_scoped3A_352 = tpu.sem_alloc : memref<!tpu.dma_semaphore, #tpu.memory_space<semaphore_mem>>
      %dma_start3A_353 = arith.constant 0 : i32
      %dma_start3A_354 = arith.constant 0 : i32
      %dma_start3A_355 = tpu.memref_slice %arg9[%run_scoped3A_195, %dma_start3A_353, %dma_start3A_354] : memref<2x512x16xf32, #tpu.memory_space<vmem>> -> memref<1x512x16xf32, #tpu.memory_space<vmem>>
      %dma_start3A_356 = tpu.memref_squeeze %dma_start3A_355 : memref<1x512x16xf32, #tpu.memory_space<vmem>> -> memref<512x16xf32, #tpu.memory_space<vmem>>
      %dma_start3A_357 = arith.constant 0 : i32
      %dma_start3A_358 = tpu.memref_slice %arg6[%add3A_193, %dma_start3A_357] : memref<131072x16xf32, #tpu.memory_space<hbm>> -> memref<512x16xf32, #tpu.memory_space<hbm>>
      %dma_start3A_359 = arith.constant 0 : i32
      %dma_start3A_360 = tpu.memref_slice %arg6[%add3A_193, %dma_start3A_359] : memref<131072x16xf32, #tpu.memory_space<hbm>> -> memref<512x16xf32, #tpu.memory_space<hbm>>
      %dma_start3A_361 = arith.constant 0 : i32
      %dma_start3A_362 = arith.constant 0 : i32
      %dma_start3A_363 = tpu.memref_slice %arg9[%run_scoped3A_195, %dma_start3A_361, %dma_start3A_362] : memref<2x512x16xf32, #tpu.memory_space<vmem>> -> memref<1x512x16xf32, #tpu.memory_space<vmem>>
      %dma_start3A_364 = tpu.memref_squeeze %dma_start3A_363 : memref<1x512x16xf32, #tpu.memory_space<vmem>> -> memref<512x16xf32, #tpu.memory_space<vmem>>
      tpu.enqueue_dma source(%dma_start3A_364 : memref<512x16xf32, #tpu.memory_space<vmem>>) target(%dma_start3A_360 : memref<512x16xf32, #tpu.memory_space<hbm>>) target_semaphore(%run_scoped3A_352 : memref<!tpu.dma_semaphore, #tpu.memory_space<semaphore_mem>>)
      %dma_wait3A_365 = arith.constant 0 : i32
      %dma_wait3A_366 = arith.constant 0 : i32
      %dma_wait3A_367 = tpu.memref_slice %arg9[%run_scoped3A_195, %dma_wait3A_365, %dma_wait3A_366] : memref<2x512x16xf32, #tpu.memory_space<vmem>> -> memref<1x512x16xf32, #tpu.memory_space<vmem>>
      %dma_wait3A_368 = tpu.memref_squeeze %dma_wait3A_367 : memref<1x512x16xf32, #tpu.memory_space<vmem>> -> memref<512x16xf32, #tpu.memory_space<vmem>>
      %dma_wait3A_369 = arith.constant 0 : i32
      %dma_wait3A_370 = tpu.memref_slice %arg6[%add3A_193, %dma_wait3A_369] : memref<131072x16xf32, #tpu.memory_space<hbm>> -> memref<512x16xf32, #tpu.memory_space<hbm>>
      %dma_wait3A_371 = arith.constant 0 : i32
      %dma_wait3A_372 = tpu.memref_slice %arg6[%add3A_193, %dma_wait3A_371] : memref<131072x16xf32, #tpu.memory_space<hbm>> -> memref<512x16xf32, #tpu.memory_space<hbm>>
      %dma_wait3A_373 = arith.constant 0 : i32
      %dma_wait3A_374 = arith.constant 0 : i32
      %dma_wait3A_375 = tpu.memref_slice %arg9[%run_scoped3A_195, %dma_wait3A_373, %dma_wait3A_374] : memref<2x512x16xf32, #tpu.memory_space<vmem>> -> memref<1x512x16xf32, #tpu.memory_space<vmem>>
      %dma_wait3A_376 = tpu.memref_squeeze %dma_wait3A_375 : memref<1x512x16xf32, #tpu.memory_space<vmem>> -> memref<512x16xf32, #tpu.memory_space<vmem>>
      tpu.wait_dma2 semaphore(%run_scoped3A_352 : memref<!tpu.dma_semaphore, #tpu.memory_space<semaphore_mem>>) src(%dma_wait3A_376 : memref<512x16xf32, #tpu.memory_space<vmem>>) dst(%dma_wait3A_372 : memref<512x16xf32, #tpu.memory_space<hbm>>)
      tpu.yield
    }) : () -> ()
    %dma_start3A_196 = arith.constant 1 : i32
    %dma_start3A_197 = arith.constant 0 : i32
    %dma_start3A_198 = arith.constant 0 : i32
    %dma_start3A_199 = tpu.memref_slice %arg8[%dma_start3A_196, %dma_start3A_197, %dma_start3A_198] : memref<2x512x64xf32, #tpu.memory_space<vmem>> -> memref<1x512x64xf32, #tpu.memory_space<vmem>>
    %dma_start3A_200 = tpu.memref_squeeze %dma_start3A_199 : memref<1x512x64xf32, #tpu.memory_space<vmem>> -> memref<512x64xf32, #tpu.memory_space<vmem>>
    %dma_start3A_201 = arith.constant 2560 : i32
    %dma_start3A_202 = tpu.memref_slice %arg7[%dma_start3A_201] : memref<4096xi32, #tpu.memory_space<vmem>> -> memref<512xi32, #tpu.memory_space<vmem>>
    %dma_start3A_203 = arith.constant 0 : i32
    %dma_start3A_204 = arith.constant 0 : i32
    %dma_start3A_205 = tpu.memref_slice %arg2[%dma_start3A_203, %dma_start3A_204] : memref<65536x64xf32, #tpu.memory_space<hbm>> -> memref<65536x64xf32, #tpu.memory_space<hbm>>
    tpu.enqueue_indirect_dma source(%dma_start3A_205 : memref<65536x64xf32, #tpu.memory_space<hbm>>) target(%dma_start3A_200 : memref<512x64xf32, #tpu.memory_space<vmem>>) offsets(%dma_start3A_202 : memref<512xi32, #tpu.memory_space<vmem>>) semaphore(%arg10 : memref<!tpu.dma_semaphore, #tpu.memory_space<semaphore_mem>>)
    %dma_start3A_206 = arith.constant 1 : i32
    %dma_start3A_207 = arith.constant 0 : i32
    %dma_start3A_208 = arith.constant 0 : i32
    %dma_start3A_209 = tpu.memref_slice %arg9[%dma_start3A_206, %dma_start3A_207, %dma_start3A_208] : memref<2x512x16xf32, #tpu.memory_space<vmem>> -> memref<1x512x16xf32, #tpu.memory_space<vmem>>
    %dma_start3A_210 = tpu.memref_squeeze %dma_start3A_209 : memref<1x512x16xf32, #tpu.memory_space<vmem>> -> memref<512x16xf32, #tpu.memory_space<vmem>>
    %dma_start3A_211 = arith.constant 2560 : i32
    %dma_start3A_212 = tpu.memref_slice %arg7[%dma_start3A_211] : memref<4096xi32, #tpu.memory_space<vmem>> -> memref<512xi32, #tpu.memory_space<vmem>>
    %dma_start3A_213 = arith.constant 0 : i32
    %dma_start3A_214 = arith.constant 0 : i32
    %dma_start3A_215 = tpu.memref_slice %arg3[%dma_start3A_213, %dma_start3A_214] : memref<65536x16xf32, #tpu.memory_space<hbm>> -> memref<65536x16xf32, #tpu.memory_space<hbm>>
    tpu.enqueue_indirect_dma source(%dma_start3A_215 : memref<65536x16xf32, #tpu.memory_space<hbm>>) target(%dma_start3A_210 : memref<512x16xf32, #tpu.memory_space<vmem>>) offsets(%dma_start3A_212 : memref<512xi32, #tpu.memory_space<vmem>>) semaphore(%arg11 : memref<!tpu.dma_semaphore, #tpu.memory_space<semaphore_mem>>)
    %dma_wait3A_216 = arith.constant 0 : i32
    %dma_wait3A_217 = arith.constant 0 : i32
    %dma_wait3A_218 = arith.constant 0 : i32
    %dma_wait3A_219 = tpu.memref_slice %arg8[%dma_wait3A_216, %dma_wait3A_217, %dma_wait3A_218] : memref<2x512x64xf32, #tpu.memory_space<vmem>> -> memref<1x512x64xf32, #tpu.memory_space<vmem>>
    %dma_wait3A_220 = tpu.memref_squeeze %dma_wait3A_219 : memref<1x512x64xf32, #tpu.memory_space<vmem>> -> memref<512x64xf32, #tpu.memory_space<vmem>>
    %dma_wait3A_221 = arith.constant 2048 : i32
    %dma_wait3A_222 = tpu.memref_slice %arg7[%dma_wait3A_221] : memref<4096xi32, #tpu.memory_space<vmem>> -> memref<512xi32, #tpu.memory_space<vmem>>
    %dma_wait3A_223 = arith.constant 0 : i32
    %dma_wait3A_224 = arith.constant 0 : i32
    %dma_wait3A_225 = tpu.memref_slice %arg2[%dma_wait3A_223, %dma_wait3A_224] : memref<65536x64xf32, #tpu.memory_space<hbm>> -> memref<65536x64xf32, #tpu.memory_space<hbm>>
    tpu.wait_indirect_dma semaphore(%arg10 : memref<!tpu.dma_semaphore, #tpu.memory_space<semaphore_mem>>) src(%dma_wait3A_225 : memref<65536x64xf32, #tpu.memory_space<hbm>>) dst(%dma_wait3A_220 : memref<512x64xf32, #tpu.memory_space<vmem>>)
    %dma_wait3A_226 = arith.constant 0 : i32
    %dma_wait3A_227 = arith.constant 0 : i32
    %dma_wait3A_228 = arith.constant 0 : i32
    %dma_wait3A_229 = tpu.memref_slice %arg9[%dma_wait3A_226, %dma_wait3A_227, %dma_wait3A_228] : memref<2x512x16xf32, #tpu.memory_space<vmem>> -> memref<1x512x16xf32, #tpu.memory_space<vmem>>
    %dma_wait3A_230 = tpu.memref_squeeze %dma_wait3A_229 : memref<1x512x16xf32, #tpu.memory_space<vmem>> -> memref<512x16xf32, #tpu.memory_space<vmem>>
    %dma_wait3A_231 = arith.constant 2048 : i32
    %dma_wait3A_232 = tpu.memref_slice %arg7[%dma_wait3A_231] : memref<4096xi32, #tpu.memory_space<vmem>> -> memref<512xi32, #tpu.memory_space<vmem>>
    %dma_wait3A_233 = arith.constant 0 : i32
    %dma_wait3A_234 = arith.constant 0 : i32
    %dma_wait3A_235 = tpu.memref_slice %arg3[%dma_wait3A_233, %dma_wait3A_234] : memref<65536x16xf32, #tpu.memory_space<hbm>> -> memref<65536x16xf32, #tpu.memory_space<hbm>>
    tpu.wait_indirect_dma semaphore(%arg11 : memref<!tpu.dma_semaphore, #tpu.memory_space<semaphore_mem>>) src(%dma_wait3A_235 : memref<65536x16xf32, #tpu.memory_space<hbm>>) dst(%dma_wait3A_230 : memref<512x16xf32, #tpu.memory_space<vmem>>)
    %add3A_236 = arith.constant 2048 : i32
    %add3A_237 = arith.addi %mul3A_2, %add3A_236 : i32
    %run_scoped3A_238 = arith.constant 0 : i32
    "tpu.region"() ({
      %run_scoped3A_352 = tpu.sem_alloc : memref<!tpu.dma_semaphore, #tpu.memory_space<semaphore_mem>>
      %dma_start3A_353 = arith.constant 0 : i32
      %dma_start3A_354 = arith.constant 0 : i32
      %dma_start3A_355 = tpu.memref_slice %arg8[%run_scoped3A_238, %dma_start3A_353, %dma_start3A_354] : memref<2x512x64xf32, #tpu.memory_space<vmem>> -> memref<1x512x64xf32, #tpu.memory_space<vmem>>
      %dma_start3A_356 = tpu.memref_squeeze %dma_start3A_355 : memref<1x512x64xf32, #tpu.memory_space<vmem>> -> memref<512x64xf32, #tpu.memory_space<vmem>>
      %dma_start3A_357 = arith.constant 0 : i32
      %dma_start3A_358 = tpu.memref_slice %arg5[%add3A_237, %dma_start3A_357] : memref<131072x64xf32, #tpu.memory_space<hbm>> -> memref<512x64xf32, #tpu.memory_space<hbm>>
      %dma_start3A_359 = arith.constant 0 : i32
      %dma_start3A_360 = tpu.memref_slice %arg5[%add3A_237, %dma_start3A_359] : memref<131072x64xf32, #tpu.memory_space<hbm>> -> memref<512x64xf32, #tpu.memory_space<hbm>>
      %dma_start3A_361 = arith.constant 0 : i32
      %dma_start3A_362 = arith.constant 0 : i32
      %dma_start3A_363 = tpu.memref_slice %arg8[%run_scoped3A_238, %dma_start3A_361, %dma_start3A_362] : memref<2x512x64xf32, #tpu.memory_space<vmem>> -> memref<1x512x64xf32, #tpu.memory_space<vmem>>
      %dma_start3A_364 = tpu.memref_squeeze %dma_start3A_363 : memref<1x512x64xf32, #tpu.memory_space<vmem>> -> memref<512x64xf32, #tpu.memory_space<vmem>>
      tpu.enqueue_dma source(%dma_start3A_364 : memref<512x64xf32, #tpu.memory_space<vmem>>) target(%dma_start3A_360 : memref<512x64xf32, #tpu.memory_space<hbm>>) target_semaphore(%run_scoped3A_352 : memref<!tpu.dma_semaphore, #tpu.memory_space<semaphore_mem>>)
      %dma_wait3A_365 = arith.constant 0 : i32
      %dma_wait3A_366 = arith.constant 0 : i32
      %dma_wait3A_367 = tpu.memref_slice %arg8[%run_scoped3A_238, %dma_wait3A_365, %dma_wait3A_366] : memref<2x512x64xf32, #tpu.memory_space<vmem>> -> memref<1x512x64xf32, #tpu.memory_space<vmem>>
      %dma_wait3A_368 = tpu.memref_squeeze %dma_wait3A_367 : memref<1x512x64xf32, #tpu.memory_space<vmem>> -> memref<512x64xf32, #tpu.memory_space<vmem>>
      %dma_wait3A_369 = arith.constant 0 : i32
      %dma_wait3A_370 = tpu.memref_slice %arg5[%add3A_237, %dma_wait3A_369] : memref<131072x64xf32, #tpu.memory_space<hbm>> -> memref<512x64xf32, #tpu.memory_space<hbm>>
      %dma_wait3A_371 = arith.constant 0 : i32
      %dma_wait3A_372 = tpu.memref_slice %arg5[%add3A_237, %dma_wait3A_371] : memref<131072x64xf32, #tpu.memory_space<hbm>> -> memref<512x64xf32, #tpu.memory_space<hbm>>
      %dma_wait3A_373 = arith.constant 0 : i32
      %dma_wait3A_374 = arith.constant 0 : i32
      %dma_wait3A_375 = tpu.memref_slice %arg8[%run_scoped3A_238, %dma_wait3A_373, %dma_wait3A_374] : memref<2x512x64xf32, #tpu.memory_space<vmem>> -> memref<1x512x64xf32, #tpu.memory_space<vmem>>
      %dma_wait3A_376 = tpu.memref_squeeze %dma_wait3A_375 : memref<1x512x64xf32, #tpu.memory_space<vmem>> -> memref<512x64xf32, #tpu.memory_space<vmem>>
      tpu.wait_dma2 semaphore(%run_scoped3A_352 : memref<!tpu.dma_semaphore, #tpu.memory_space<semaphore_mem>>) src(%dma_wait3A_376 : memref<512x64xf32, #tpu.memory_space<vmem>>) dst(%dma_wait3A_372 : memref<512x64xf32, #tpu.memory_space<hbm>>)
      tpu.yield
    }) : () -> ()
    %run_scoped3A_239 = arith.constant 0 : i32
    "tpu.region"() ({
      %run_scoped3A_352 = tpu.sem_alloc : memref<!tpu.dma_semaphore, #tpu.memory_space<semaphore_mem>>
      %dma_start3A_353 = arith.constant 0 : i32
      %dma_start3A_354 = arith.constant 0 : i32
      %dma_start3A_355 = tpu.memref_slice %arg9[%run_scoped3A_239, %dma_start3A_353, %dma_start3A_354] : memref<2x512x16xf32, #tpu.memory_space<vmem>> -> memref<1x512x16xf32, #tpu.memory_space<vmem>>
      %dma_start3A_356 = tpu.memref_squeeze %dma_start3A_355 : memref<1x512x16xf32, #tpu.memory_space<vmem>> -> memref<512x16xf32, #tpu.memory_space<vmem>>
      %dma_start3A_357 = arith.constant 0 : i32
      %dma_start3A_358 = tpu.memref_slice %arg6[%add3A_237, %dma_start3A_357] : memref<131072x16xf32, #tpu.memory_space<hbm>> -> memref<512x16xf32, #tpu.memory_space<hbm>>
      %dma_start3A_359 = arith.constant 0 : i32
      %dma_start3A_360 = tpu.memref_slice %arg6[%add3A_237, %dma_start3A_359] : memref<131072x16xf32, #tpu.memory_space<hbm>> -> memref<512x16xf32, #tpu.memory_space<hbm>>
      %dma_start3A_361 = arith.constant 0 : i32
      %dma_start3A_362 = arith.constant 0 : i32
      %dma_start3A_363 = tpu.memref_slice %arg9[%run_scoped3A_239, %dma_start3A_361, %dma_start3A_362] : memref<2x512x16xf32, #tpu.memory_space<vmem>> -> memref<1x512x16xf32, #tpu.memory_space<vmem>>
      %dma_start3A_364 = tpu.memref_squeeze %dma_start3A_363 : memref<1x512x16xf32, #tpu.memory_space<vmem>> -> memref<512x16xf32, #tpu.memory_space<vmem>>
      tpu.enqueue_dma source(%dma_start3A_364 : memref<512x16xf32, #tpu.memory_space<vmem>>) target(%dma_start3A_360 : memref<512x16xf32, #tpu.memory_space<hbm>>) target_semaphore(%run_scoped3A_352 : memref<!tpu.dma_semaphore, #tpu.memory_space<semaphore_mem>>)
      %dma_wait3A_365 = arith.constant 0 : i32
      %dma_wait3A_366 = arith.constant 0 : i32
      %dma_wait3A_367 = tpu.memref_slice %arg9[%run_scoped3A_239, %dma_wait3A_365, %dma_wait3A_366] : memref<2x512x16xf32, #tpu.memory_space<vmem>> -> memref<1x512x16xf32, #tpu.memory_space<vmem>>
      %dma_wait3A_368 = tpu.memref_squeeze %dma_wait3A_367 : memref<1x512x16xf32, #tpu.memory_space<vmem>> -> memref<512x16xf32, #tpu.memory_space<vmem>>
      %dma_wait3A_369 = arith.constant 0 : i32
      %dma_wait3A_370 = tpu.memref_slice %arg6[%add3A_237, %dma_wait3A_369] : memref<131072x16xf32, #tpu.memory_space<hbm>> -> memref<512x16xf32, #tpu.memory_space<hbm>>
      %dma_wait3A_371 = arith.constant 0 : i32
      %dma_wait3A_372 = tpu.memref_slice %arg6[%add3A_237, %dma_wait3A_371] : memref<131072x16xf32, #tpu.memory_space<hbm>> -> memref<512x16xf32, #tpu.memory_space<hbm>>
      %dma_wait3A_373 = arith.constant 0 : i32
      %dma_wait3A_374 = arith.constant 0 : i32
      %dma_wait3A_375 = tpu.memref_slice %arg9[%run_scoped3A_239, %dma_wait3A_373, %dma_wait3A_374] : memref<2x512x16xf32, #tpu.memory_space<vmem>> -> memref<1x512x16xf32, #tpu.memory_space<vmem>>
      %dma_wait3A_376 = tpu.memref_squeeze %dma_wait3A_375 : memref<1x512x16xf32, #tpu.memory_space<vmem>> -> memref<512x16xf32, #tpu.memory_space<vmem>>
      tpu.wait_dma2 semaphore(%run_scoped3A_352 : memref<!tpu.dma_semaphore, #tpu.memory_space<semaphore_mem>>) src(%dma_wait3A_376 : memref<512x16xf32, #tpu.memory_space<vmem>>) dst(%dma_wait3A_372 : memref<512x16xf32, #tpu.memory_space<hbm>>)
      tpu.yield
    }) : () -> ()
    %dma_start3A_240 = arith.constant 0 : i32
    %dma_start3A_241 = arith.constant 0 : i32
    %dma_start3A_242 = arith.constant 0 : i32
    %dma_start3A_243 = tpu.memref_slice %arg8[%dma_start3A_240, %dma_start3A_241, %dma_start3A_242] : memref<2x512x64xf32, #tpu.memory_space<vmem>> -> memref<1x512x64xf32, #tpu.memory_space<vmem>>
    %dma_start3A_244 = tpu.memref_squeeze %dma_start3A_243 : memref<1x512x64xf32, #tpu.memory_space<vmem>> -> memref<512x64xf32, #tpu.memory_space<vmem>>
    %dma_start3A_245 = arith.constant 3072 : i32
    %dma_start3A_246 = tpu.memref_slice %arg7[%dma_start3A_245] : memref<4096xi32, #tpu.memory_space<vmem>> -> memref<512xi32, #tpu.memory_space<vmem>>
    %dma_start3A_247 = arith.constant 0 : i32
    %dma_start3A_248 = arith.constant 0 : i32
    %dma_start3A_249 = tpu.memref_slice %arg2[%dma_start3A_247, %dma_start3A_248] : memref<65536x64xf32, #tpu.memory_space<hbm>> -> memref<65536x64xf32, #tpu.memory_space<hbm>>
    tpu.enqueue_indirect_dma source(%dma_start3A_249 : memref<65536x64xf32, #tpu.memory_space<hbm>>) target(%dma_start3A_244 : memref<512x64xf32, #tpu.memory_space<vmem>>) offsets(%dma_start3A_246 : memref<512xi32, #tpu.memory_space<vmem>>) semaphore(%arg10 : memref<!tpu.dma_semaphore, #tpu.memory_space<semaphore_mem>>)
    %dma_start3A_250 = arith.constant 0 : i32
    %dma_start3A_251 = arith.constant 0 : i32
    %dma_start3A_252 = arith.constant 0 : i32
    %dma_start3A_253 = tpu.memref_slice %arg9[%dma_start3A_250, %dma_start3A_251, %dma_start3A_252] : memref<2x512x16xf32, #tpu.memory_space<vmem>> -> memref<1x512x16xf32, #tpu.memory_space<vmem>>
    %dma_start3A_254 = tpu.memref_squeeze %dma_start3A_253 : memref<1x512x16xf32, #tpu.memory_space<vmem>> -> memref<512x16xf32, #tpu.memory_space<vmem>>
    %dma_start3A_255 = arith.constant 3072 : i32
    %dma_start3A_256 = tpu.memref_slice %arg7[%dma_start3A_255] : memref<4096xi32, #tpu.memory_space<vmem>> -> memref<512xi32, #tpu.memory_space<vmem>>
    %dma_start3A_257 = arith.constant 0 : i32
    %dma_start3A_258 = arith.constant 0 : i32
    %dma_start3A_259 = tpu.memref_slice %arg3[%dma_start3A_257, %dma_start3A_258] : memref<65536x16xf32, #tpu.memory_space<hbm>> -> memref<65536x16xf32, #tpu.memory_space<hbm>>
    tpu.enqueue_indirect_dma source(%dma_start3A_259 : memref<65536x16xf32, #tpu.memory_space<hbm>>) target(%dma_start3A_254 : memref<512x16xf32, #tpu.memory_space<vmem>>) offsets(%dma_start3A_256 : memref<512xi32, #tpu.memory_space<vmem>>) semaphore(%arg11 : memref<!tpu.dma_semaphore, #tpu.memory_space<semaphore_mem>>)
    %dma_wait3A_260 = arith.constant 1 : i32
    %dma_wait3A_261 = arith.constant 0 : i32
    %dma_wait3A_262 = arith.constant 0 : i32
    %dma_wait3A_263 = tpu.memref_slice %arg8[%dma_wait3A_260, %dma_wait3A_261, %dma_wait3A_262] : memref<2x512x64xf32, #tpu.memory_space<vmem>> -> memref<1x512x64xf32, #tpu.memory_space<vmem>>
    %dma_wait3A_264 = tpu.memref_squeeze %dma_wait3A_263 : memref<1x512x64xf32, #tpu.memory_space<vmem>> -> memref<512x64xf32, #tpu.memory_space<vmem>>
    %dma_wait3A_265 = arith.constant 2560 : i32
    %dma_wait3A_266 = tpu.memref_slice %arg7[%dma_wait3A_265] : memref<4096xi32, #tpu.memory_space<vmem>> -> memref<512xi32, #tpu.memory_space<vmem>>
    %dma_wait3A_267 = arith.constant 0 : i32
    %dma_wait3A_268 = arith.constant 0 : i32
    %dma_wait3A_269 = tpu.memref_slice %arg2[%dma_wait3A_267, %dma_wait3A_268] : memref<65536x64xf32, #tpu.memory_space<hbm>> -> memref<65536x64xf32, #tpu.memory_space<hbm>>
    tpu.wait_indirect_dma semaphore(%arg10 : memref<!tpu.dma_semaphore, #tpu.memory_space<semaphore_mem>>) src(%dma_wait3A_269 : memref<65536x64xf32, #tpu.memory_space<hbm>>) dst(%dma_wait3A_264 : memref<512x64xf32, #tpu.memory_space<vmem>>)
    %dma_wait3A_270 = arith.constant 1 : i32
    %dma_wait3A_271 = arith.constant 0 : i32
    %dma_wait3A_272 = arith.constant 0 : i32
    %dma_wait3A_273 = tpu.memref_slice %arg9[%dma_wait3A_270, %dma_wait3A_271, %dma_wait3A_272] : memref<2x512x16xf32, #tpu.memory_space<vmem>> -> memref<1x512x16xf32, #tpu.memory_space<vmem>>
    %dma_wait3A_274 = tpu.memref_squeeze %dma_wait3A_273 : memref<1x512x16xf32, #tpu.memory_space<vmem>> -> memref<512x16xf32, #tpu.memory_space<vmem>>
    %dma_wait3A_275 = arith.constant 2560 : i32
    %dma_wait3A_276 = tpu.memref_slice %arg7[%dma_wait3A_275] : memref<4096xi32, #tpu.memory_space<vmem>> -> memref<512xi32, #tpu.memory_space<vmem>>
    %dma_wait3A_277 = arith.constant 0 : i32
    %dma_wait3A_278 = arith.constant 0 : i32
    %dma_wait3A_279 = tpu.memref_slice %arg3[%dma_wait3A_277, %dma_wait3A_278] : memref<65536x16xf32, #tpu.memory_space<hbm>> -> memref<65536x16xf32, #tpu.memory_space<hbm>>
    tpu.wait_indirect_dma semaphore(%arg11 : memref<!tpu.dma_semaphore, #tpu.memory_space<semaphore_mem>>) src(%dma_wait3A_279 : memref<65536x16xf32, #tpu.memory_space<hbm>>) dst(%dma_wait3A_274 : memref<512x16xf32, #tpu.memory_space<vmem>>)
    %add3A_280 = arith.constant 2560 : i32
    %add3A_281 = arith.addi %mul3A_2, %add3A_280 : i32
    %run_scoped3A_282 = arith.constant 1 : i32
    "tpu.region"() ({
      %run_scoped3A_352 = tpu.sem_alloc : memref<!tpu.dma_semaphore, #tpu.memory_space<semaphore_mem>>
      %dma_start3A_353 = arith.constant 0 : i32
      %dma_start3A_354 = arith.constant 0 : i32
      %dma_start3A_355 = tpu.memref_slice %arg8[%run_scoped3A_282, %dma_start3A_353, %dma_start3A_354] : memref<2x512x64xf32, #tpu.memory_space<vmem>> -> memref<1x512x64xf32, #tpu.memory_space<vmem>>
      %dma_start3A_356 = tpu.memref_squeeze %dma_start3A_355 : memref<1x512x64xf32, #tpu.memory_space<vmem>> -> memref<512x64xf32, #tpu.memory_space<vmem>>
      %dma_start3A_357 = arith.constant 0 : i32
      %dma_start3A_358 = tpu.memref_slice %arg5[%add3A_281, %dma_start3A_357] : memref<131072x64xf32, #tpu.memory_space<hbm>> -> memref<512x64xf32, #tpu.memory_space<hbm>>
      %dma_start3A_359 = arith.constant 0 : i32
      %dma_start3A_360 = tpu.memref_slice %arg5[%add3A_281, %dma_start3A_359] : memref<131072x64xf32, #tpu.memory_space<hbm>> -> memref<512x64xf32, #tpu.memory_space<hbm>>
      %dma_start3A_361 = arith.constant 0 : i32
      %dma_start3A_362 = arith.constant 0 : i32
      %dma_start3A_363 = tpu.memref_slice %arg8[%run_scoped3A_282, %dma_start3A_361, %dma_start3A_362] : memref<2x512x64xf32, #tpu.memory_space<vmem>> -> memref<1x512x64xf32, #tpu.memory_space<vmem>>
      %dma_start3A_364 = tpu.memref_squeeze %dma_start3A_363 : memref<1x512x64xf32, #tpu.memory_space<vmem>> -> memref<512x64xf32, #tpu.memory_space<vmem>>
      tpu.enqueue_dma source(%dma_start3A_364 : memref<512x64xf32, #tpu.memory_space<vmem>>) target(%dma_start3A_360 : memref<512x64xf32, #tpu.memory_space<hbm>>) target_semaphore(%run_scoped3A_352 : memref<!tpu.dma_semaphore, #tpu.memory_space<semaphore_mem>>)
      %dma_wait3A_365 = arith.constant 0 : i32
      %dma_wait3A_366 = arith.constant 0 : i32
      %dma_wait3A_367 = tpu.memref_slice %arg8[%run_scoped3A_282, %dma_wait3A_365, %dma_wait3A_366] : memref<2x512x64xf32, #tpu.memory_space<vmem>> -> memref<1x512x64xf32, #tpu.memory_space<vmem>>
      %dma_wait3A_368 = tpu.memref_squeeze %dma_wait3A_367 : memref<1x512x64xf32, #tpu.memory_space<vmem>> -> memref<512x64xf32, #tpu.memory_space<vmem>>
      %dma_wait3A_369 = arith.constant 0 : i32
      %dma_wait3A_370 = tpu.memref_slice %arg5[%add3A_281, %dma_wait3A_369] : memref<131072x64xf32, #tpu.memory_space<hbm>> -> memref<512x64xf32, #tpu.memory_space<hbm>>
      %dma_wait3A_371 = arith.constant 0 : i32
      %dma_wait3A_372 = tpu.memref_slice %arg5[%add3A_281, %dma_wait3A_371] : memref<131072x64xf32, #tpu.memory_space<hbm>> -> memref<512x64xf32, #tpu.memory_space<hbm>>
      %dma_wait3A_373 = arith.constant 0 : i32
      %dma_wait3A_374 = arith.constant 0 : i32
      %dma_wait3A_375 = tpu.memref_slice %arg8[%run_scoped3A_282, %dma_wait3A_373, %dma_wait3A_374] : memref<2x512x64xf32, #tpu.memory_space<vmem>> -> memref<1x512x64xf32, #tpu.memory_space<vmem>>
      %dma_wait3A_376 = tpu.memref_squeeze %dma_wait3A_375 : memref<1x512x64xf32, #tpu.memory_space<vmem>> -> memref<512x64xf32, #tpu.memory_space<vmem>>
      tpu.wait_dma2 semaphore(%run_scoped3A_352 : memref<!tpu.dma_semaphore, #tpu.memory_space<semaphore_mem>>) src(%dma_wait3A_376 : memref<512x64xf32, #tpu.memory_space<vmem>>) dst(%dma_wait3A_372 : memref<512x64xf32, #tpu.memory_space<hbm>>)
      tpu.yield
    }) : () -> ()
    %run_scoped3A_283 = arith.constant 1 : i32
    "tpu.region"() ({
      %run_scoped3A_352 = tpu.sem_alloc : memref<!tpu.dma_semaphore, #tpu.memory_space<semaphore_mem>>
      %dma_start3A_353 = arith.constant 0 : i32
      %dma_start3A_354 = arith.constant 0 : i32
      %dma_start3A_355 = tpu.memref_slice %arg9[%run_scoped3A_283, %dma_start3A_353, %dma_start3A_354] : memref<2x512x16xf32, #tpu.memory_space<vmem>> -> memref<1x512x16xf32, #tpu.memory_space<vmem>>
      %dma_start3A_356 = tpu.memref_squeeze %dma_start3A_355 : memref<1x512x16xf32, #tpu.memory_space<vmem>> -> memref<512x16xf32, #tpu.memory_space<vmem>>
      %dma_start3A_357 = arith.constant 0 : i32
      %dma_start3A_358 = tpu.memref_slice %arg6[%add3A_281, %dma_start3A_357] : memref<131072x16xf32, #tpu.memory_space<hbm>> -> memref<512x16xf32, #tpu.memory_space<hbm>>
      %dma_start3A_359 = arith.constant 0 : i32
      %dma_start3A_360 = tpu.memref_slice %arg6[%add3A_281, %dma_start3A_359] : memref<131072x16xf32, #tpu.memory_space<hbm>> -> memref<512x16xf32, #tpu.memory_space<hbm>>
      %dma_start3A_361 = arith.constant 0 : i32
      %dma_start3A_362 = arith.constant 0 : i32
      %dma_start3A_363 = tpu.memref_slice %arg9[%run_scoped3A_283, %dma_start3A_361, %dma_start3A_362] : memref<2x512x16xf32, #tpu.memory_space<vmem>> -> memref<1x512x16xf32, #tpu.memory_space<vmem>>
      %dma_start3A_364 = tpu.memref_squeeze %dma_start3A_363 : memref<1x512x16xf32, #tpu.memory_space<vmem>> -> memref<512x16xf32, #tpu.memory_space<vmem>>
      tpu.enqueue_dma source(%dma_start3A_364 : memref<512x16xf32, #tpu.memory_space<vmem>>) target(%dma_start3A_360 : memref<512x16xf32, #tpu.memory_space<hbm>>) target_semaphore(%run_scoped3A_352 : memref<!tpu.dma_semaphore, #tpu.memory_space<semaphore_mem>>)
      %dma_wait3A_365 = arith.constant 0 : i32
      %dma_wait3A_366 = arith.constant 0 : i32
      %dma_wait3A_367 = tpu.memref_slice %arg9[%run_scoped3A_283, %dma_wait3A_365, %dma_wait3A_366] : memref<2x512x16xf32, #tpu.memory_space<vmem>> -> memref<1x512x16xf32, #tpu.memory_space<vmem>>
      %dma_wait3A_368 = tpu.memref_squeeze %dma_wait3A_367 : memref<1x512x16xf32, #tpu.memory_space<vmem>> -> memref<512x16xf32, #tpu.memory_space<vmem>>
      %dma_wait3A_369 = arith.constant 0 : i32
      %dma_wait3A_370 = tpu.memref_slice %arg6[%add3A_281, %dma_wait3A_369] : memref<131072x16xf32, #tpu.memory_space<hbm>> -> memref<512x16xf32, #tpu.memory_space<hbm>>
      %dma_wait3A_371 = arith.constant 0 : i32
      %dma_wait3A_372 = tpu.memref_slice %arg6[%add3A_281, %dma_wait3A_371] : memref<131072x16xf32, #tpu.memory_space<hbm>> -> memref<512x16xf32, #tpu.memory_space<hbm>>
      %dma_wait3A_373 = arith.constant 0 : i32
      %dma_wait3A_374 = arith.constant 0 : i32
      %dma_wait3A_375 = tpu.memref_slice %arg9[%run_scoped3A_283, %dma_wait3A_373, %dma_wait3A_374] : memref<2x512x16xf32, #tpu.memory_space<vmem>> -> memref<1x512x16xf32, #tpu.memory_space<vmem>>
      %dma_wait3A_376 = tpu.memref_squeeze %dma_wait3A_375 : memref<1x512x16xf32, #tpu.memory_space<vmem>> -> memref<512x16xf32, #tpu.memory_space<vmem>>
      tpu.wait_dma2 semaphore(%run_scoped3A_352 : memref<!tpu.dma_semaphore, #tpu.memory_space<semaphore_mem>>) src(%dma_wait3A_376 : memref<512x16xf32, #tpu.memory_space<vmem>>) dst(%dma_wait3A_372 : memref<512x16xf32, #tpu.memory_space<hbm>>)
      tpu.yield
    }) : () -> ()
    %dma_start3A_284 = arith.constant 1 : i32
    %dma_start3A_285 = arith.constant 0 : i32
    %dma_start3A_286 = arith.constant 0 : i32
    %dma_start3A_287 = tpu.memref_slice %arg8[%dma_start3A_284, %dma_start3A_285, %dma_start3A_286] : memref<2x512x64xf32, #tpu.memory_space<vmem>> -> memref<1x512x64xf32, #tpu.memory_space<vmem>>
    %dma_start3A_288 = tpu.memref_squeeze %dma_start3A_287 : memref<1x512x64xf32, #tpu.memory_space<vmem>> -> memref<512x64xf32, #tpu.memory_space<vmem>>
    %dma_start3A_289 = arith.constant 3584 : i32
    %dma_start3A_290 = tpu.memref_slice %arg7[%dma_start3A_289] : memref<4096xi32, #tpu.memory_space<vmem>> -> memref<512xi32, #tpu.memory_space<vmem>>
    %dma_start3A_291 = arith.constant 0 : i32
    %dma_start3A_292 = arith.constant 0 : i32
    %dma_start3A_293 = tpu.memref_slice %arg2[%dma_start3A_291, %dma_start3A_292] : memref<65536x64xf32, #tpu.memory_space<hbm>> -> memref<65536x64xf32, #tpu.memory_space<hbm>>
    tpu.enqueue_indirect_dma source(%dma_start3A_293 : memref<65536x64xf32, #tpu.memory_space<hbm>>) target(%dma_start3A_288 : memref<512x64xf32, #tpu.memory_space<vmem>>) offsets(%dma_start3A_290 : memref<512xi32, #tpu.memory_space<vmem>>) semaphore(%arg10 : memref<!tpu.dma_semaphore, #tpu.memory_space<semaphore_mem>>)
    %dma_start3A_294 = arith.constant 1 : i32
    %dma_start3A_295 = arith.constant 0 : i32
    %dma_start3A_296 = arith.constant 0 : i32
    %dma_start3A_297 = tpu.memref_slice %arg9[%dma_start3A_294, %dma_start3A_295, %dma_start3A_296] : memref<2x512x16xf32, #tpu.memory_space<vmem>> -> memref<1x512x16xf32, #tpu.memory_space<vmem>>
    %dma_start3A_298 = tpu.memref_squeeze %dma_start3A_297 : memref<1x512x16xf32, #tpu.memory_space<vmem>> -> memref<512x16xf32, #tpu.memory_space<vmem>>
    %dma_start3A_299 = arith.constant 3584 : i32
    %dma_start3A_300 = tpu.memref_slice %arg7[%dma_start3A_299] : memref<4096xi32, #tpu.memory_space<vmem>> -> memref<512xi32, #tpu.memory_space<vmem>>
    %dma_start3A_301 = arith.constant 0 : i32
    %dma_start3A_302 = arith.constant 0 : i32
    %dma_start3A_303 = tpu.memref_slice %arg3[%dma_start3A_301, %dma_start3A_302] : memref<65536x16xf32, #tpu.memory_space<hbm>> -> memref<65536x16xf32, #tpu.memory_space<hbm>>
    tpu.enqueue_indirect_dma source(%dma_start3A_303 : memref<65536x16xf32, #tpu.memory_space<hbm>>) target(%dma_start3A_298 : memref<512x16xf32, #tpu.memory_space<vmem>>) offsets(%dma_start3A_300 : memref<512xi32, #tpu.memory_space<vmem>>) semaphore(%arg11 : memref<!tpu.dma_semaphore, #tpu.memory_space<semaphore_mem>>)
    %dma_wait3A_304 = arith.constant 0 : i32
    %dma_wait3A_305 = arith.constant 0 : i32
    %dma_wait3A_306 = arith.constant 0 : i32
    %dma_wait3A_307 = tpu.memref_slice %arg8[%dma_wait3A_304, %dma_wait3A_305, %dma_wait3A_306] : memref<2x512x64xf32, #tpu.memory_space<vmem>> -> memref<1x512x64xf32, #tpu.memory_space<vmem>>
    %dma_wait3A_308 = tpu.memref_squeeze %dma_wait3A_307 : memref<1x512x64xf32, #tpu.memory_space<vmem>> -> memref<512x64xf32, #tpu.memory_space<vmem>>
    %dma_wait3A_309 = arith.constant 3072 : i32
    %dma_wait3A_310 = tpu.memref_slice %arg7[%dma_wait3A_309] : memref<4096xi32, #tpu.memory_space<vmem>> -> memref<512xi32, #tpu.memory_space<vmem>>
    %dma_wait3A_311 = arith.constant 0 : i32
    %dma_wait3A_312 = arith.constant 0 : i32
    %dma_wait3A_313 = tpu.memref_slice %arg2[%dma_wait3A_311, %dma_wait3A_312] : memref<65536x64xf32, #tpu.memory_space<hbm>> -> memref<65536x64xf32, #tpu.memory_space<hbm>>
    tpu.wait_indirect_dma semaphore(%arg10 : memref<!tpu.dma_semaphore, #tpu.memory_space<semaphore_mem>>) src(%dma_wait3A_313 : memref<65536x64xf32, #tpu.memory_space<hbm>>) dst(%dma_wait3A_308 : memref<512x64xf32, #tpu.memory_space<vmem>>)
    %dma_wait3A_314 = arith.constant 0 : i32
    %dma_wait3A_315 = arith.constant 0 : i32
    %dma_wait3A_316 = arith.constant 0 : i32
    %dma_wait3A_317 = tpu.memref_slice %arg9[%dma_wait3A_314, %dma_wait3A_315, %dma_wait3A_316] : memref<2x512x16xf32, #tpu.memory_space<vmem>> -> memref<1x512x16xf32, #tpu.memory_space<vmem>>
    %dma_wait3A_318 = tpu.memref_squeeze %dma_wait3A_317 : memref<1x512x16xf32, #tpu.memory_space<vmem>> -> memref<512x16xf32, #tpu.memory_space<vmem>>
    %dma_wait3A_319 = arith.constant 3072 : i32
    %dma_wait3A_320 = tpu.memref_slice %arg7[%dma_wait3A_319] : memref<4096xi32, #tpu.memory_space<vmem>> -> memref<512xi32, #tpu.memory_space<vmem>>
    %dma_wait3A_321 = arith.constant 0 : i32
    %dma_wait3A_322 = arith.constant 0 : i32
    %dma_wait3A_323 = tpu.memref_slice %arg3[%dma_wait3A_321, %dma_wait3A_322] : memref<65536x16xf32, #tpu.memory_space<hbm>> -> memref<65536x16xf32, #tpu.memory_space<hbm>>
    tpu.wait_indirect_dma semaphore(%arg11 : memref<!tpu.dma_semaphore, #tpu.memory_space<semaphore_mem>>) src(%dma_wait3A_323 : memref<65536x16xf32, #tpu.memory_space<hbm>>) dst(%dma_wait3A_318 : memref<512x16xf32, #tpu.memory_space<vmem>>)
    %add3A_324 = arith.constant 3072 : i32
    %add3A_325 = arith.addi %mul3A_2, %add3A_324 : i32
    %run_scoped3A_326 = arith.constant 0 : i32
    "tpu.region"() ({
      %run_scoped3A_352 = tpu.sem_alloc : memref<!tpu.dma_semaphore, #tpu.memory_space<semaphore_mem>>
      %dma_start3A_353 = arith.constant 0 : i32
      %dma_start3A_354 = arith.constant 0 : i32
      %dma_start3A_355 = tpu.memref_slice %arg8[%run_scoped3A_326, %dma_start3A_353, %dma_start3A_354] : memref<2x512x64xf32, #tpu.memory_space<vmem>> -> memref<1x512x64xf32, #tpu.memory_space<vmem>>
      %dma_start3A_356 = tpu.memref_squeeze %dma_start3A_355 : memref<1x512x64xf32, #tpu.memory_space<vmem>> -> memref<512x64xf32, #tpu.memory_space<vmem>>
      %dma_start3A_357 = arith.constant 0 : i32
      %dma_start3A_358 = tpu.memref_slice %arg5[%add3A_325, %dma_start3A_357] : memref<131072x64xf32, #tpu.memory_space<hbm>> -> memref<512x64xf32, #tpu.memory_space<hbm>>
      %dma_start3A_359 = arith.constant 0 : i32
      %dma_start3A_360 = tpu.memref_slice %arg5[%add3A_325, %dma_start3A_359] : memref<131072x64xf32, #tpu.memory_space<hbm>> -> memref<512x64xf32, #tpu.memory_space<hbm>>
      %dma_start3A_361 = arith.constant 0 : i32
      %dma_start3A_362 = arith.constant 0 : i32
      %dma_start3A_363 = tpu.memref_slice %arg8[%run_scoped3A_326, %dma_start3A_361, %dma_start3A_362] : memref<2x512x64xf32, #tpu.memory_space<vmem>> -> memref<1x512x64xf32, #tpu.memory_space<vmem>>
      %dma_start3A_364 = tpu.memref_squeeze %dma_start3A_363 : memref<1x512x64xf32, #tpu.memory_space<vmem>> -> memref<512x64xf32, #tpu.memory_space<vmem>>
      tpu.enqueue_dma source(%dma_start3A_364 : memref<512x64xf32, #tpu.memory_space<vmem>>) target(%dma_start3A_360 : memref<512x64xf32, #tpu.memory_space<hbm>>) target_semaphore(%run_scoped3A_352 : memref<!tpu.dma_semaphore, #tpu.memory_space<semaphore_mem>>)
      %dma_wait3A_365 = arith.constant 0 : i32
      %dma_wait3A_366 = arith.constant 0 : i32
      %dma_wait3A_367 = tpu.memref_slice %arg8[%run_scoped3A_326, %dma_wait3A_365, %dma_wait3A_366] : memref<2x512x64xf32, #tpu.memory_space<vmem>> -> memref<1x512x64xf32, #tpu.memory_space<vmem>>
      %dma_wait3A_368 = tpu.memref_squeeze %dma_wait3A_367 : memref<1x512x64xf32, #tpu.memory_space<vmem>> -> memref<512x64xf32, #tpu.memory_space<vmem>>
      %dma_wait3A_369 = arith.constant 0 : i32
      %dma_wait3A_370 = tpu.memref_slice %arg5[%add3A_325, %dma_wait3A_369] : memref<131072x64xf32, #tpu.memory_space<hbm>> -> memref<512x64xf32, #tpu.memory_space<hbm>>
      %dma_wait3A_371 = arith.constant 0 : i32
      %dma_wait3A_372 = tpu.memref_slice %arg5[%add3A_325, %dma_wait3A_371] : memref<131072x64xf32, #tpu.memory_space<hbm>> -> memref<512x64xf32, #tpu.memory_space<hbm>>
      %dma_wait3A_373 = arith.constant 0 : i32
      %dma_wait3A_374 = arith.constant 0 : i32
      %dma_wait3A_375 = tpu.memref_slice %arg8[%run_scoped3A_326, %dma_wait3A_373, %dma_wait3A_374] : memref<2x512x64xf32, #tpu.memory_space<vmem>> -> memref<1x512x64xf32, #tpu.memory_space<vmem>>
      %dma_wait3A_376 = tpu.memref_squeeze %dma_wait3A_375 : memref<1x512x64xf32, #tpu.memory_space<vmem>> -> memref<512x64xf32, #tpu.memory_space<vmem>>
      tpu.wait_dma2 semaphore(%run_scoped3A_352 : memref<!tpu.dma_semaphore, #tpu.memory_space<semaphore_mem>>) src(%dma_wait3A_376 : memref<512x64xf32, #tpu.memory_space<vmem>>) dst(%dma_wait3A_372 : memref<512x64xf32, #tpu.memory_space<hbm>>)
      tpu.yield
    }) : () -> ()
    %run_scoped3A_327 = arith.constant 0 : i32
    "tpu.region"() ({
      %run_scoped3A_352 = tpu.sem_alloc : memref<!tpu.dma_semaphore, #tpu.memory_space<semaphore_mem>>
      %dma_start3A_353 = arith.constant 0 : i32
      %dma_start3A_354 = arith.constant 0 : i32
      %dma_start3A_355 = tpu.memref_slice %arg9[%run_scoped3A_327, %dma_start3A_353, %dma_start3A_354] : memref<2x512x16xf32, #tpu.memory_space<vmem>> -> memref<1x512x16xf32, #tpu.memory_space<vmem>>
      %dma_start3A_356 = tpu.memref_squeeze %dma_start3A_355 : memref<1x512x16xf32, #tpu.memory_space<vmem>> -> memref<512x16xf32, #tpu.memory_space<vmem>>
      %dma_start3A_357 = arith.constant 0 : i32
      %dma_start3A_358 = tpu.memref_slice %arg6[%add3A_325, %dma_start3A_357] : memref<131072x16xf32, #tpu.memory_space<hbm>> -> memref<512x16xf32, #tpu.memory_space<hbm>>
      %dma_start3A_359 = arith.constant 0 : i32
      %dma_start3A_360 = tpu.memref_slice %arg6[%add3A_325, %dma_start3A_359] : memref<131072x16xf32, #tpu.memory_space<hbm>> -> memref<512x16xf32, #tpu.memory_space<hbm>>
      %dma_start3A_361 = arith.constant 0 : i32
      %dma_start3A_362 = arith.constant 0 : i32
      %dma_start3A_363 = tpu.memref_slice %arg9[%run_scoped3A_327, %dma_start3A_361, %dma_start3A_362] : memref<2x512x16xf32, #tpu.memory_space<vmem>> -> memref<1x512x16xf32, #tpu.memory_space<vmem>>
      %dma_start3A_364 = tpu.memref_squeeze %dma_start3A_363 : memref<1x512x16xf32, #tpu.memory_space<vmem>> -> memref<512x16xf32, #tpu.memory_space<vmem>>
      tpu.enqueue_dma source(%dma_start3A_364 : memref<512x16xf32, #tpu.memory_space<vmem>>) target(%dma_start3A_360 : memref<512x16xf32, #tpu.memory_space<hbm>>) target_semaphore(%run_scoped3A_352 : memref<!tpu.dma_semaphore, #tpu.memory_space<semaphore_mem>>)
      %dma_wait3A_365 = arith.constant 0 : i32
      %dma_wait3A_366 = arith.constant 0 : i32
      %dma_wait3A_367 = tpu.memref_slice %arg9[%run_scoped3A_327, %dma_wait3A_365, %dma_wait3A_366] : memref<2x512x16xf32, #tpu.memory_space<vmem>> -> memref<1x512x16xf32, #tpu.memory_space<vmem>>
      %dma_wait3A_368 = tpu.memref_squeeze %dma_wait3A_367 : memref<1x512x16xf32, #tpu.memory_space<vmem>> -> memref<512x16xf32, #tpu.memory_space<vmem>>
      %dma_wait3A_369 = arith.constant 0 : i32
      %dma_wait3A_370 = tpu.memref_slice %arg6[%add3A_325, %dma_wait3A_369] : memref<131072x16xf32, #tpu.memory_space<hbm>> -> memref<512x16xf32, #tpu.memory_space<hbm>>
      %dma_wait3A_371 = arith.constant 0 : i32
      %dma_wait3A_372 = tpu.memref_slice %arg6[%add3A_325, %dma_wait3A_371] : memref<131072x16xf32, #tpu.memory_space<hbm>> -> memref<512x16xf32, #tpu.memory_space<hbm>>
      %dma_wait3A_373 = arith.constant 0 : i32
      %dma_wait3A_374 = arith.constant 0 : i32
      %dma_wait3A_375 = tpu.memref_slice %arg9[%run_scoped3A_327, %dma_wait3A_373, %dma_wait3A_374] : memref<2x512x16xf32, #tpu.memory_space<vmem>> -> memref<1x512x16xf32, #tpu.memory_space<vmem>>
      %dma_wait3A_376 = tpu.memref_squeeze %dma_wait3A_375 : memref<1x512x16xf32, #tpu.memory_space<vmem>> -> memref<512x16xf32, #tpu.memory_space<vmem>>
      tpu.wait_dma2 semaphore(%run_scoped3A_352 : memref<!tpu.dma_semaphore, #tpu.memory_space<semaphore_mem>>) src(%dma_wait3A_376 : memref<512x16xf32, #tpu.memory_space<vmem>>) dst(%dma_wait3A_372 : memref<512x16xf32, #tpu.memory_space<hbm>>)
      tpu.yield
    }) : () -> ()
    %dma_wait3A_328 = arith.constant 1 : i32
    %dma_wait3A_329 = arith.constant 0 : i32
    %dma_wait3A_330 = arith.constant 0 : i32
    %dma_wait3A_331 = tpu.memref_slice %arg8[%dma_wait3A_328, %dma_wait3A_329, %dma_wait3A_330] : memref<2x512x64xf32, #tpu.memory_space<vmem>> -> memref<1x512x64xf32, #tpu.memory_space<vmem>>
    %dma_wait3A_332 = tpu.memref_squeeze %dma_wait3A_331 : memref<1x512x64xf32, #tpu.memory_space<vmem>> -> memref<512x64xf32, #tpu.memory_space<vmem>>
    %dma_wait3A_333 = arith.constant 3584 : i32
    %dma_wait3A_334 = tpu.memref_slice %arg7[%dma_wait3A_333] : memref<4096xi32, #tpu.memory_space<vmem>> -> memref<512xi32, #tpu.memory_space<vmem>>
    %dma_wait3A_335 = arith.constant 0 : i32
    %dma_wait3A_336 = arith.constant 0 : i32
    %dma_wait3A_337 = tpu.memref_slice %arg2[%dma_wait3A_335, %dma_wait3A_336] : memref<65536x64xf32, #tpu.memory_space<hbm>> -> memref<65536x64xf32, #tpu.memory_space<hbm>>
    tpu.wait_indirect_dma semaphore(%arg10 : memref<!tpu.dma_semaphore, #tpu.memory_space<semaphore_mem>>) src(%dma_wait3A_337 : memref<65536x64xf32, #tpu.memory_space<hbm>>) dst(%dma_wait3A_332 : memref<512x64xf32, #tpu.memory_space<vmem>>)
    %dma_wait3A_338 = arith.constant 1 : i32
    %dma_wait3A_339 = arith.constant 0 : i32
    %dma_wait3A_340 = arith.constant 0 : i32
    %dma_wait3A_341 = tpu.memref_slice %arg9[%dma_wait3A_338, %dma_wait3A_339, %dma_wait3A_340] : memref<2x512x16xf32, #tpu.memory_space<vmem>> -> memref<1x512x16xf32, #tpu.memory_space<vmem>>
    %dma_wait3A_342 = tpu.memref_squeeze %dma_wait3A_341 : memref<1x512x16xf32, #tpu.memory_space<vmem>> -> memref<512x16xf32, #tpu.memory_space<vmem>>
    %dma_wait3A_343 = arith.constant 3584 : i32
    %dma_wait3A_344 = tpu.memref_slice %arg7[%dma_wait3A_343] : memref<4096xi32, #tpu.memory_space<vmem>> -> memref<512xi32, #tpu.memory_space<vmem>>
    %dma_wait3A_345 = arith.constant 0 : i32
    %dma_wait3A_346 = arith.constant 0 : i32
    %dma_wait3A_347 = tpu.memref_slice %arg3[%dma_wait3A_345, %dma_wait3A_346] : memref<65536x16xf32, #tpu.memory_space<hbm>> -> memref<65536x16xf32, #tpu.memory_space<hbm>>
    tpu.wait_indirect_dma semaphore(%arg11 : memref<!tpu.dma_semaphore, #tpu.memory_space<semaphore_mem>>) src(%dma_wait3A_347 : memref<65536x16xf32, #tpu.memory_space<hbm>>) dst(%dma_wait3A_342 : memref<512x16xf32, #tpu.memory_space<vmem>>)
    %add3A_348 = arith.constant 3584 : i32
    %add3A_349 = arith.addi %mul3A_2, %add3A_348 : i32
    %run_scoped3A_350 = arith.constant 1 : i32
    "tpu.region"() ({
      %run_scoped3A_352 = tpu.sem_alloc : memref<!tpu.dma_semaphore, #tpu.memory_space<semaphore_mem>>
      %dma_start3A_353 = arith.constant 0 : i32
      %dma_start3A_354 = arith.constant 0 : i32
      %dma_start3A_355 = tpu.memref_slice %arg8[%run_scoped3A_350, %dma_start3A_353, %dma_start3A_354] : memref<2x512x64xf32, #tpu.memory_space<vmem>> -> memref<1x512x64xf32, #tpu.memory_space<vmem>>
      %dma_start3A_356 = tpu.memref_squeeze %dma_start3A_355 : memref<1x512x64xf32, #tpu.memory_space<vmem>> -> memref<512x64xf32, #tpu.memory_space<vmem>>
      %dma_start3A_357 = arith.constant 0 : i32
      %dma_start3A_358 = tpu.memref_slice %arg5[%add3A_349, %dma_start3A_357] : memref<131072x64xf32, #tpu.memory_space<hbm>> -> memref<512x64xf32, #tpu.memory_space<hbm>>
      %dma_start3A_359 = arith.constant 0 : i32
      %dma_start3A_360 = tpu.memref_slice %arg5[%add3A_349, %dma_start3A_359] : memref<131072x64xf32, #tpu.memory_space<hbm>> -> memref<512x64xf32, #tpu.memory_space<hbm>>
      %dma_start3A_361 = arith.constant 0 : i32
      %dma_start3A_362 = arith.constant 0 : i32
      %dma_start3A_363 = tpu.memref_slice %arg8[%run_scoped3A_350, %dma_start3A_361, %dma_start3A_362] : memref<2x512x64xf32, #tpu.memory_space<vmem>> -> memref<1x512x64xf32, #tpu.memory_space<vmem>>
      %dma_start3A_364 = tpu.memref_squeeze %dma_start3A_363 : memref<1x512x64xf32, #tpu.memory_space<vmem>> -> memref<512x64xf32, #tpu.memory_space<vmem>>
      tpu.enqueue_dma source(%dma_start3A_364 : memref<512x64xf32, #tpu.memory_space<vmem>>) target(%dma_start3A_360 : memref<512x64xf32, #tpu.memory_space<hbm>>) target_semaphore(%run_scoped3A_352 : memref<!tpu.dma_semaphore, #tpu.memory_space<semaphore_mem>>)
      %dma_wait3A_365 = arith.constant 0 : i32
      %dma_wait3A_366 = arith.constant 0 : i32
      %dma_wait3A_367 = tpu.memref_slice %arg8[%run_scoped3A_350, %dma_wait3A_365, %dma_wait3A_366] : memref<2x512x64xf32, #tpu.memory_space<vmem>> -> memref<1x512x64xf32, #tpu.memory_space<vmem>>
      %dma_wait3A_368 = tpu.memref_squeeze %dma_wait3A_367 : memref<1x512x64xf32, #tpu.memory_space<vmem>> -> memref<512x64xf32, #tpu.memory_space<vmem>>
      %dma_wait3A_369 = arith.constant 0 : i32
      %dma_wait3A_370 = tpu.memref_slice %arg5[%add3A_349, %dma_wait3A_369] : memref<131072x64xf32, #tpu.memory_space<hbm>> -> memref<512x64xf32, #tpu.memory_space<hbm>>
      %dma_wait3A_371 = arith.constant 0 : i32
      %dma_wait3A_372 = tpu.memref_slice %arg5[%add3A_349, %dma_wait3A_371] : memref<131072x64xf32, #tpu.memory_space<hbm>> -> memref<512x64xf32, #tpu.memory_space<hbm>>
      %dma_wait3A_373 = arith.constant 0 : i32
      %dma_wait3A_374 = arith.constant 0 : i32
      %dma_wait3A_375 = tpu.memref_slice %arg8[%run_scoped3A_350, %dma_wait3A_373, %dma_wait3A_374] : memref<2x512x64xf32, #tpu.memory_space<vmem>> -> memref<1x512x64xf32, #tpu.memory_space<vmem>>
      %dma_wait3A_376 = tpu.memref_squeeze %dma_wait3A_375 : memref<1x512x64xf32, #tpu.memory_space<vmem>> -> memref<512x64xf32, #tpu.memory_space<vmem>>
      tpu.wait_dma2 semaphore(%run_scoped3A_352 : memref<!tpu.dma_semaphore, #tpu.memory_space<semaphore_mem>>) src(%dma_wait3A_376 : memref<512x64xf32, #tpu.memory_space<vmem>>) dst(%dma_wait3A_372 : memref<512x64xf32, #tpu.memory_space<hbm>>)
      tpu.yield
    }) : () -> ()
    %run_scoped3A_351 = arith.constant 1 : i32
    "tpu.region"() ({
      %run_scoped3A_352 = tpu.sem_alloc : memref<!tpu.dma_semaphore, #tpu.memory_space<semaphore_mem>>
      %dma_start3A_353 = arith.constant 0 : i32
      %dma_start3A_354 = arith.constant 0 : i32
      %dma_start3A_355 = tpu.memref_slice %arg9[%run_scoped3A_351, %dma_start3A_353, %dma_start3A_354] : memref<2x512x16xf32, #tpu.memory_space<vmem>> -> memref<1x512x16xf32, #tpu.memory_space<vmem>>
      %dma_start3A_356 = tpu.memref_squeeze %dma_start3A_355 : memref<1x512x16xf32, #tpu.memory_space<vmem>> -> memref<512x16xf32, #tpu.memory_space<vmem>>
      %dma_start3A_357 = arith.constant 0 : i32
      %dma_start3A_358 = tpu.memref_slice %arg6[%add3A_349, %dma_start3A_357] : memref<131072x16xf32, #tpu.memory_space<hbm>> -> memref<512x16xf32, #tpu.memory_space<hbm>>
      %dma_start3A_359 = arith.constant 0 : i32
      %dma_start3A_360 = tpu.memref_slice %arg6[%add3A_349, %dma_start3A_359] : memref<131072x16xf32, #tpu.memory_space<hbm>> -> memref<512x16xf32, #tpu.memory_space<hbm>>
      %dma_start3A_361 = arith.constant 0 : i32
      %dma_start3A_362 = arith.constant 0 : i32
      %dma_start3A_363 = tpu.memref_slice %arg9[%run_scoped3A_351, %dma_start3A_361, %dma_start3A_362] : memref<2x512x16xf32, #tpu.memory_space<vmem>> -> memref<1x512x16xf32, #tpu.memory_space<vmem>>
      %dma_start3A_364 = tpu.memref_squeeze %dma_start3A_363 : memref<1x512x16xf32, #tpu.memory_space<vmem>> -> memref<512x16xf32, #tpu.memory_space<vmem>>
      tpu.enqueue_dma source(%dma_start3A_364 : memref<512x16xf32, #tpu.memory_space<vmem>>) target(%dma_start3A_360 : memref<512x16xf32, #tpu.memory_space<hbm>>) target_semaphore(%run_scoped3A_352 : memref<!tpu.dma_semaphore, #tpu.memory_space<semaphore_mem>>)
      %dma_wait3A_365 = arith.constant 0 : i32
      %dma_wait3A_366 = arith.constant 0 : i32
      %dma_wait3A_367 = tpu.memref_slice %arg9[%run_scoped3A_351, %dma_wait3A_365, %dma_wait3A_366] : memref<2x512x16xf32, #tpu.memory_space<vmem>> -> memref<1x512x16xf32, #tpu.memory_space<vmem>>
      %dma_wait3A_368 = tpu.memref_squeeze %dma_wait3A_367 : memref<1x512x16xf32, #tpu.memory_space<vmem>> -> memref<512x16xf32, #tpu.memory_space<vmem>>
      %dma_wait3A_369 = arith.constant 0 : i32
      %dma_wait3A_370 = tpu.memref_slice %arg6[%add3A_349, %dma_wait3A_369] : memref<131072x16xf32, #tpu.memory_space<hbm>> -> memref<512x16xf32, #tpu.memory_space<hbm>>
      %dma_wait3A_371 = arith.constant 0 : i32
      %dma_wait3A_372 = tpu.memref_slice %arg6[%add3A_349, %dma_wait3A_371] : memref<131072x16xf32, #tpu.memory_space<hbm>> -> memref<512x16xf32, #tpu.memory_space<hbm>>
      %dma_wait3A_373 = arith.constant 0 : i32
      %dma_wait3A_374 = arith.constant 0 : i32
      %dma_wait3A_375 = tpu.memref_slice %arg9[%run_scoped3A_351, %dma_wait3A_373, %dma_wait3A_374] : memref<2x512x16xf32, #tpu.memory_space<vmem>> -> memref<1x512x16xf32, #tpu.memory_space<vmem>>
      %dma_wait3A_376 = tpu.memref_squeeze %dma_wait3A_375 : memref<1x512x16xf32, #tpu.memory_space<vmem>> -> memref<512x16xf32, #tpu.memory_space<vmem>>
      tpu.wait_dma2 semaphore(%run_scoped3A_352 : memref<!tpu.dma_semaphore, #tpu.memory_space<semaphore_mem>>) src(%dma_wait3A_376 : memref<512x16xf32, #tpu.memory_space<vmem>>) dst(%dma_wait3A_372 : memref<512x16xf32, #tpu.memory_space<hbm>>)
      tpu.yield
    }) : () -> ()
    return
  }
}

module attributes {stable_mosaic.version = 14 : i64} {
  func.func @body(%arg0: memref<8x8192xf32, #tpu.memory_space<vmem>>, %arg1: memref<8x8192xf32, #tpu.memory_space<vmem>>, %arg2: memref<8x8192xf32, #tpu.memory_space<vmem>>, %arg3: memref<8x512xf32, #tpu.memory_space<vmem>>, %arg4: memref<8x512xf32, #tpu.memory_space<vmem>>, %arg5: memref<8x512xf32, #tpu.memory_space<vmem>>) attributes {dimension_semantics = [], scalar_prefetch = 0 : i64, scratch_operands = 0 : i64, tpu.core_type = #tpu.core_type<tc>} {
    %get3A = arith.constant 0 : index
    %get3A_0 = arith.constant 0 : index
    %get3A_1 = vector.load %arg0[%get3A, %get3A_0] : memref<8x8192xf32, #tpu.memory_space<vmem>>, vector<8x8192xf32>
    %get3A_2 = arith.constant 0 : index
    %get3A_3 = arith.constant 0 : index
    %get3A_4 = vector.load %arg1[%get3A_2, %get3A_3] : memref<8x8192xf32, #tpu.memory_space<vmem>>, vector<8x8192xf32>
    %get3A_5 = arith.constant 0 : index
    %get3A_6 = arith.constant 0 : index
    %get3A_7 = vector.load %arg2[%get3A_5, %get3A_6] : memref<8x8192xf32, #tpu.memory_space<vmem>>, vector<8x8192xf32>
    %iota3A = tpu.iota {dimensions = array<i32: 1>} : vector<8x8192xi32>
    %iota3A_8 = tpu.iota {dimensions = array<i32: 1>} : vector<8x512xi32>
    %broadcast_in_dim3A = arith.constant 0x7F800000 : f32
    %broadcast_in_dim3A_9 = vector.broadcast %broadcast_in_dim3A : f32 to vector<8x8192xf32>
    %broadcast_in_dim3A_10 = arith.constant 0 : i32
    %broadcast_in_dim3A_11 = vector.broadcast %broadcast_in_dim3A_10 : i32 to vector<8x1xi32>
    %broadcast_in_dim3A_12 = arith.constant 0.000000e+00 : f32
    %broadcast_in_dim3A_13 = vector.broadcast %broadcast_in_dim3A_12 : f32 to vector<8x512xf32>
    %scan3A = arith.constant 0 : i32
    %scan3A_14 = arith.constant 512 : i32
    %scan3A_15 = arith.addi %scan3A, %scan3A_14 : i32
    %scan3A_16 = arith.constant 1 : i32
    %scan3A_17:5 = scf.for %scan3A_27 = %scan3A to %scan3A_15 step %scan3A_16 iter_args(%scan3A_28 = %broadcast_in_dim3A_9, %scan3A_29 = %broadcast_in_dim3A_11, %scan3A_30 = %broadcast_in_dim3A_13, %scan3A_31 = %broadcast_in_dim3A_13, %scan3A_32 = %broadcast_in_dim3A_13) -> (vector<8x8192xf32>, vector<8x1xi32>, vector<8x512xf32>, vector<8x512xf32>, vector<8x512xf32>)  : i32 {
      %eq3A = vector.broadcast %scan3A_29 : vector<8x1xi32> to vector<8x8192xi32>
      %eq3A_33 = arith.cmpi eq, %iota3A, %eq3A : vector<8x8192xi32>
      %jit3A = arith.constant 0.000000e+00 : f32
      %broadcast_in_dim3A_34 = vector.broadcast %jit3A : f32 to vector<8x8192xf32>
      %select_n3A = arith.select %eq3A_33, %get3A_1, %broadcast_in_dim3A_34 : vector<8x8192xi1>, vector<8x8192xf32>
      %reduce_sum3A = arith.constant dense<0.000000e+00> : vector<8xf32>
      %reduce_sum3A_35 = vector.multi_reduction <add>, %select_n3A, %reduce_sum3A [1] : vector<8x8192xf32> to vector<8xf32>
      %broadcast_in_dim3A_36 = vector.shape_cast %reduce_sum3A_35 : vector<8xf32> to vector<8x1xf32>
      %jit3A_37 = arith.constant 0.000000e+00 : f32
      %broadcast_in_dim3A_38 = vector.broadcast %jit3A_37 : f32 to vector<8x8192xf32>
      %select_n3A_39 = arith.select %eq3A_33, %get3A_4, %broadcast_in_dim3A_38 : vector<8x8192xi1>, vector<8x8192xf32>
      %reduce_sum3A_40 = arith.constant dense<0.000000e+00> : vector<8xf32>
      %reduce_sum3A_41 = vector.multi_reduction <add>, %select_n3A_39, %reduce_sum3A_40 [1] : vector<8x8192xf32> to vector<8xf32>
      %broadcast_in_dim3A_42 = vector.shape_cast %reduce_sum3A_41 : vector<8xf32> to vector<8x1xf32>
      %jit3A_43 = arith.constant 0.000000e+00 : f32
      %broadcast_in_dim3A_44 = vector.broadcast %jit3A_43 : f32 to vector<8x8192xf32>
      %select_n3A_45 = arith.select %eq3A_33, %get3A_7, %broadcast_in_dim3A_44 : vector<8x8192xi1>, vector<8x8192xf32>
      %reduce_sum3A_46 = arith.constant dense<0.000000e+00> : vector<8xf32>
      %reduce_sum3A_47 = vector.multi_reduction <add>, %select_n3A_45, %reduce_sum3A_46 [1] : vector<8x8192xf32> to vector<8xf32>
      %broadcast_in_dim3A_48 = vector.shape_cast %reduce_sum3A_47 : vector<8xf32> to vector<8x1xf32>
      %eq3A_49 = vector.broadcast %scan3A_27 : i32 to vector<8x512xi32>
      %eq3A_50 = arith.cmpi eq, %iota3A_8, %eq3A_49 : vector<8x512xi32>
      %jit3A_51 = arith.constant 0.000000e+00 : f32
      %broadcast_in_dim3A_52 = vector.shape_cast %broadcast_in_dim3A_36 : vector<8x1xf32> to vector<8x1xf32>
      %broadcast_in_dim3A_53 = vector.broadcast %broadcast_in_dim3A_52 : vector<8x1xf32> to vector<8x512xf32>
      %broadcast_in_dim3A_54 = vector.broadcast %jit3A_51 : f32 to vector<8x512xf32>
      %select_n3A_55 = arith.select %eq3A_50, %broadcast_in_dim3A_53, %broadcast_in_dim3A_54 : vector<8x512xi1>, vector<8x512xf32>
      %add3A = arith.addf %scan3A_30, %select_n3A_55 : vector<8x512xf32>
      %jit3A_56 = arith.constant 0.000000e+00 : f32
      %broadcast_in_dim3A_57 = vector.shape_cast %broadcast_in_dim3A_42 : vector<8x1xf32> to vector<8x1xf32>
      %broadcast_in_dim3A_58 = vector.broadcast %broadcast_in_dim3A_57 : vector<8x1xf32> to vector<8x512xf32>
      %broadcast_in_dim3A_59 = vector.broadcast %jit3A_56 : f32 to vector<8x512xf32>
      %select_n3A_60 = arith.select %eq3A_50, %broadcast_in_dim3A_58, %broadcast_in_dim3A_59 : vector<8x512xi1>, vector<8x512xf32>
      %add3A_61 = arith.addf %scan3A_31, %select_n3A_60 : vector<8x512xf32>
      %jit3A_62 = arith.constant 0.000000e+00 : f32
      %broadcast_in_dim3A_63 = vector.shape_cast %broadcast_in_dim3A_48 : vector<8x1xf32> to vector<8x1xf32>
      %broadcast_in_dim3A_64 = vector.broadcast %broadcast_in_dim3A_63 : vector<8x1xf32> to vector<8x512xf32>
      %broadcast_in_dim3A_65 = vector.broadcast %jit3A_62 : f32 to vector<8x512xf32>
      %select_n3A_66 = arith.select %eq3A_50, %broadcast_in_dim3A_64, %broadcast_in_dim3A_65 : vector<8x512xi1>, vector<8x512xf32>
      %add3A_67 = arith.addf %scan3A_32, %select_n3A_66 : vector<8x512xf32>
      %sub3A = vector.broadcast %broadcast_in_dim3A_36 : vector<8x1xf32> to vector<8x8192xf32>
      %sub3A_68 = arith.subf %get3A_1, %sub3A : vector<8x8192xf32>
      %sub3A_69 = vector.broadcast %broadcast_in_dim3A_42 : vector<8x1xf32> to vector<8x8192xf32>
      %sub3A_70 = arith.subf %get3A_4, %sub3A_69 : vector<8x8192xf32>
      %sub3A_71 = vector.broadcast %broadcast_in_dim3A_48 : vector<8x1xf32> to vector<8x8192xf32>
      %sub3A_72 = arith.subf %get3A_7, %sub3A_71 : vector<8x8192xf32>
      %mul3A = arith.mulf %sub3A_68, %sub3A_68 : vector<8x8192xf32>
      %mul3A_73 = arith.mulf %sub3A_70, %sub3A_70 : vector<8x8192xf32>
      %add3A_74 = arith.addf %mul3A, %mul3A_73 : vector<8x8192xf32>
      %mul3A_75 = arith.mulf %sub3A_72, %sub3A_72 : vector<8x8192xf32>
      %add3A_76 = arith.addf %add3A_74, %mul3A_75 : vector<8x8192xf32>
      %min3A = arith.minimumf %scan3A_28, %add3A_76 : vector<8x8192xf32>
      %reduce_max3A = arith.constant dense<0xFF800000> : vector<8xf32>
      %reduce_max3A_77 = vector.multi_reduction <maximumf>, %min3A, %reduce_max3A [1] : vector<8x8192xf32> to vector<8xf32>
      %broadcast_in_dim3A_78 = vector.shape_cast %reduce_max3A_77 : vector<8xf32> to vector<8x1xf32>
      %eq3A_79 = vector.broadcast %broadcast_in_dim3A_78 : vector<8x1xf32> to vector<8x8192xf32>
      %eq3A_80 = arith.cmpf oeq, %min3A, %eq3A_79 : vector<8x8192xf32>
      %jit3A_81 = arith.constant 8192 : i32
      %broadcast_in_dim3A_82 = vector.broadcast %jit3A_81 : i32 to vector<8x8192xi32>
      %select_n3A_83 = arith.select %eq3A_80, %iota3A, %broadcast_in_dim3A_82 : vector<8x8192xi1>, vector<8x8192xi32>
      %reduce_min3A = arith.constant dense<2147483647> : vector<8xi32>
      %reduce_min3A_84 = vector.multi_reduction <minsi>, %select_n3A_83, %reduce_min3A [1] : vector<8x8192xi32> to vector<8xi32>
      %broadcast_in_dim3A_85 = vector.shape_cast %reduce_min3A_84 : vector<8xi32> to vector<8x1xi32>
      scf.yield %min3A, %broadcast_in_dim3A_85, %add3A, %add3A_61, %add3A_67 : vector<8x8192xf32>, vector<8x1xi32>, vector<8x512xf32>, vector<8x512xf32>, vector<8x512xf32>
    }
    %scan3A_18 = arith.constant 512 : i32
    %swap3A = arith.constant 0 : index
    %swap3A_19 = arith.constant 0 : index
    %swap3A_20 = vector.load %arg3[%swap3A, %swap3A_19] : memref<8x512xf32, #tpu.memory_space<vmem>>, vector<8x512xf32>
    tpu.vector_store %arg3[%swap3A, %swap3A_19], %scan3A_17#2 {strides = array<i32>} : memref<8x512xf32, #tpu.memory_space<vmem>>, vector<8x512xf32>,
    %swap3A_21 = arith.constant 0 : index
    %swap3A_22 = arith.constant 0 : index
    %swap3A_23 = vector.load %arg4[%swap3A_21, %swap3A_22] : memref<8x512xf32, #tpu.memory_space<vmem>>, vector<8x512xf32>
    tpu.vector_store %arg4[%swap3A_21, %swap3A_22], %scan3A_17#3 {strides = array<i32>} : memref<8x512xf32, #tpu.memory_space<vmem>>, vector<8x512xf32>,
    %swap3A_24 = arith.constant 0 : index
    %swap3A_25 = arith.constant 0 : index
    %swap3A_26 = vector.load %arg5[%swap3A_24, %swap3A_25] : memref<8x512xf32, #tpu.memory_space<vmem>>, vector<8x512xf32>
    tpu.vector_store %arg5[%swap3A_24, %swap3A_25], %scan3A_17#4 {strides = array<i32>} : memref<8x512xf32, #tpu.memory_space<vmem>>, vector<8x512xf32>,
    return
  }
}

module attributes {stable_mosaic.version = 14 : i64} {
  func.func @body(%arg0: i32, %arg1: i32, %arg2: memref<1x8192x3xf32, #tpu.memory_space<vmem>>, %arg3: memref<1x3x512xf32, #tpu.memory_space<vmem>>, %arg4: memref<1x32x512xi32, #tpu.memory_space<vmem>>, %arg5: memref<8192x512xf32, #tpu.memory_space<vmem>>) attributes {dimension_semantics = [#tpu.dimension_semantics<arbitrary>, #tpu.dimension_semantics<arbitrary>], iteration_bounds = array<i64: 8, 1>, scalar_prefetch = 0 : i64, scratch_operands = 1 : i64, tpu.core_type = #tpu.core_type<tc>, window_params = [{transform_indices = @transform_0, window_bounds = array<i64: 1, 8192, 3>}, {transform_indices = @transform_1, window_bounds = array<i64: 1, 3, 512>}, {transform_indices = @transform_2, window_bounds = array<i64: 1, 32, 512>}]} {
    %get3A = arith.constant 0 : index
    %get3A_0 = arith.constant 0 : index
    %get3A_1 = arith.constant 0 : index
    %get3A_2 = vector.load %arg2[%get3A, %get3A_0, %get3A_1] : memref<1x8192x3xf32, #tpu.memory_space<vmem>>, vector<1x8192x3xf32>
    %get3A_3 = vector.shape_cast %get3A_2 : vector<1x8192x3xf32> to vector<8192x3xf32>
    %get3A_4 = arith.constant 0 : index
    %get3A_5 = arith.constant 0 : index
    %get3A_6 = arith.constant 0 : index
    %get3A_7 = vector.load %arg3[%get3A_4, %get3A_5, %get3A_6] : memref<1x3x512xf32, #tpu.memory_space<vmem>>, vector<1x3x512xf32>
    %get3A_8 = vector.shape_cast %get3A_7 : vector<1x3x512xf32> to vector<3x512xf32>
    %mul3A = arith.mulf %get3A_3, %get3A_3 : vector<8192x3xf32>
    %reduce_sum3A = arith.constant dense<0.000000e+00> : vector<8192xf32>
    %reduce_sum3A_9 = vector.multi_reduction <add>, %mul3A, %reduce_sum3A [1] : vector<8192x3xf32> to vector<8192xf32>
    %broadcast_in_dim3A = vector.shape_cast %reduce_sum3A_9 : vector<8192xf32> to vector<8192x1xf32>
    %mul3A_10 = arith.mulf %get3A_8, %get3A_8 : vector<3x512xf32>
    %reduce_sum3A_11 = arith.constant dense<0.000000e+00> : vector<512xf32>
    %reduce_sum3A_12 = vector.multi_reduction <add>, %mul3A_10, %reduce_sum3A_11 [0] : vector<3x512xf32> to vector<512xf32>
    %broadcast_in_dim3A_13 = vector.shape_cast %reduce_sum3A_12 : vector<512xf32> to vector<1x512xf32>
    %dot_general3A = arith.constant dense<0.000000e+00> : vector<8192x512xf32>
    %dot_general3A_14 = tpu.matmul %get3A_3, %get3A_8, %dot_general3A {dimension_numbers = #tpu.dot_dimension_numbers<[1], [0], [0], [1], [0, 0, 1, 1], [], []>, transpose_lhs_hint = false} : vector<8192x3xf32>, vector<3x512xf32>, vector<8192x512xf32> -> vector<8192x512xf32>
    %add3A = vector.broadcast %broadcast_in_dim3A_13 : vector<1x512xf32> to vector<8192x512xf32>
    %add3A_15 = vector.broadcast %broadcast_in_dim3A : vector<8192x1xf32> to vector<8192x512xf32>
    %add3A_16 = arith.addf %add3A, %add3A_15 : vector<8192x512xf32>
    %mul3A_17 = arith.constant 2.000000e+00 : f32
    %mul3A_18 = vector.broadcast %mul3A_17 : f32 to vector<8192x512xf32>
    %mul3A_19 = arith.mulf %mul3A_18, %dot_general3A_14 : vector<8192x512xf32>
    %sub3A = arith.subf %add3A_16, %mul3A_19 : vector<8192x512xf32>
    %max3A = arith.constant 0.000000e+00 : f32
    %max3A_20 = vector.broadcast %max3A : f32 to vector<8192x512xf32>
    %max3A_21 = arith.maximumf %sub3A, %max3A_20 : vector<8192x512xf32>
    %sqrt3A = math.sqrt %max3A_21 : vector<8192x512xf32>
    %swap3A = arith.constant 0 : index
    %swap3A_22 = arith.constant 0 : index
    %swap3A_23 = vector.load %arg5[%swap3A, %swap3A_22] : memref<8192x512xf32, #tpu.memory_space<vmem>>, vector<8192x512xf32>
    tpu.vector_store %arg5[%swap3A, %swap3A_22], %sqrt3A {strides = array<i32>} : memref<8192x512xf32, #tpu.memory_space<vmem>>, vector<8192x512xf32>,
    %iota3A = tpu.iota {dimensions = array<i32: 0>} : vector<8192x512xi32>
    %iota3A_24 = tpu.iota {dimensions = array<i32: 0>} : vector<32x512xi32>
    %broadcast_in_dim3A_25 = arith.constant 0 : i32
    %broadcast_in_dim3A_26 = vector.broadcast %broadcast_in_dim3A_25 : i32 to vector<32x512xi32>
    %scan3A = arith.constant 0 : i32
    %scan3A_27 = arith.constant 32 : i32
    %scan3A_28 = arith.addi %scan3A, %scan3A_27 : i32
    %scan3A_29 = arith.constant 1 : i32
    %scan3A_30 = scf.for %scan3A_38 = %scan3A to %scan3A_28 step %scan3A_29 iter_args(%scan3A_39 = %broadcast_in_dim3A_26) -> (vector<32x512xi32>)  : i32 {
      %get3A_40 = arith.constant 0 : index
      %get3A_41 = arith.constant 0 : index
      %get3A_42 = vector.load %arg5[%get3A_40, %get3A_41] : memref<8192x512xf32, #tpu.memory_space<vmem>>, vector<8192x512xf32>
      %reduce_min3A = arith.constant dense<0x7F800000> : vector<512xf32>
      %reduce_min3A_43 = vector.multi_reduction <minimumf>, %get3A_42, %reduce_min3A [0] : vector<8192x512xf32> to vector<512xf32>
      %broadcast_in_dim3A_44 = vector.shape_cast %reduce_min3A_43 : vector<512xf32> to vector<1x512xf32>
      %eq3A = vector.broadcast %broadcast_in_dim3A_44 : vector<1x512xf32> to vector<8192x512xf32>
      %eq3A_45 = arith.cmpf oeq, %get3A_42, %eq3A : vector<8192x512xf32>
      %jit3A = arith.constant 8192 : i32
      %broadcast_in_dim3A_46 = vector.broadcast %jit3A : i32 to vector<8192x512xi32>
      %select_n3A = arith.select %eq3A_45, %iota3A, %broadcast_in_dim3A_46 : vector<8192x512xi1>, vector<8192x512xi32>
      %reduce_min3A_47 = arith.constant dense<2147483647> : vector<512xi32>
      %reduce_min3A_48 = vector.multi_reduction <minsi>, %select_n3A, %reduce_min3A_47 [0] : vector<8192x512xi32> to vector<512xi32>
      %broadcast_in_dim3A_49 = vector.shape_cast %reduce_min3A_48 : vector<512xi32> to vector<1x512xi32>
      %eq3A_50 = vector.broadcast %scan3A_38 : i32 to vector<32x512xi32>
      %eq3A_51 = arith.cmpi eq, %iota3A_24, %eq3A_50 : vector<32x512xi32>
      %jit3A_52 = arith.constant 0 : i32
      %broadcast_in_dim3A_53 = vector.shape_cast %broadcast_in_dim3A_49 : vector<1x512xi32> to vector<1x512xi32>
      %broadcast_in_dim3A_54 = vector.broadcast %broadcast_in_dim3A_53 : vector<1x512xi32> to vector<32x512xi32>
      %broadcast_in_dim3A_55 = vector.broadcast %jit3A_52 : i32 to vector<32x512xi32>
      %select_n3A_56 = arith.select %eq3A_51, %broadcast_in_dim3A_54, %broadcast_in_dim3A_55 : vector<32x512xi1>, vector<32x512xi32>
      %add3A_57 = arith.addi %scan3A_39, %select_n3A_56 : vector<32x512xi32>
      %eq3A_58 = vector.broadcast %broadcast_in_dim3A_49 : vector<1x512xi32> to vector<8192x512xi32>
      %eq3A_59 = arith.cmpi eq, %iota3A, %eq3A_58 : vector<8192x512xi32>
      %jit3A_60 = arith.constant 0x7F800000 : f32
      %broadcast_in_dim3A_61 = vector.broadcast %jit3A_60 : f32 to vector<8192x512xf32>
      %select_n3A_62 = arith.select %eq3A_59, %broadcast_in_dim3A_61, %get3A_42 : vector<8192x512xi1>, vector<8192x512xf32>
      %swap3A_63 = arith.constant 0 : index
      %swap3A_64 = arith.constant 0 : index
      %swap3A_65 = vector.load %arg5[%swap3A_63, %swap3A_64] : memref<8192x512xf32, #tpu.memory_space<vmem>>, vector<8192x512xf32>
      tpu.vector_store %arg5[%swap3A_63, %swap3A_64], %select_n3A_62 {strides = array<i32>} : memref<8192x512xf32, #tpu.memory_space<vmem>>, vector<8192x512xf32>,
      scf.yield %add3A_57 : vector<32x512xi32>
    }
    %scan3A_31 = arith.constant 32 : i32
    %swap3A_32 = arith.constant 0 : index
    %swap3A_33 = arith.constant 0 : index
    %swap3A_34 = arith.constant 0 : index
    %swap3A_35 = vector.load %arg4[%swap3A_32, %swap3A_33, %swap3A_34] : memref<1x32x512xi32, #tpu.memory_space<vmem>>, vector<1x32x512xi32>
    %swap3A_36 = vector.shape_cast %swap3A_35 : vector<1x32x512xi32> to vector<32x512xi32>
    %swap3A_37 = vector.shape_cast %scan3A_30 : vector<32x512xi32> to vector<1x32x512xi32>
    tpu.vector_store %arg4[%swap3A_32, %swap3A_33, %swap3A_34], %swap3A_37 {strides = array<i32>} : memref<1x32x512xi32, #tpu.memory_space<vmem>>, vector<1x32x512xi32>,
    return
  }
  func.func @transform_0(%arg0: i32, %arg1: i32) -> (i32, i32, i32) {
    %c0_i32 = arith.constant 0 : i32
    %c0_i32_0 = arith.constant 0 : i32
    %c0_i32_1 = arith.constant 0 : i32
    return %arg0, %c0_i32, %c0_i32_0 : i32, i32, i32
  }
  func.func @transform_1(%arg0: i32, %arg1: i32) -> (i32, i32, i32) {
    %c0_i32 = arith.constant 0 : i32
    %c0_i32_0 = arith.constant 0 : i32
    return %arg0, %c0_i32, %arg1 : i32, i32, i32
  }
  func.func @transform_2(%arg0: i32, %arg1: i32) -> (i32, i32, i32) {
    %c0_i32 = arith.constant 0 : i32
    %c0_i32_0 = arith.constant 0 : i32
    return %arg0, %c0_i32, %arg1 : i32, i32, i32
  }
}

</mosaic_0001>

<sc_bundles>
// kernel: kernel.5.cloned.1.call-start
scs
__scs_entry_jumppad:
0x0: {  	(pc) =	sbr.rel $0x88, $3  }
0x1: {  	(tag) =	ssettag $0x0;
	lr =	simm.s32 $0x1  }
0x2: {  	[smem:$0x3F9F] =	sst lr;
	_ =	strace $0xD0000000  }
0x3: {  	_ = 	snop  }
0x4: {  	_ = 	snop  }
0x5: {  	_ = 	snop  }
0x6: {  	_ = 	snop  }
0x7: {  	_ = 	snop  }
__scs_overlays_trampoline_lowered:
0x8: {  	[smem:$0x3FAE] =	sst s0  }
0x9: {  	[smem:$0x3FAF] =	sst s1  }
0xa: {  	[smem:$0x3FB0] =	sst s2  }
0xb: {  	[smem:$0x3FB1] =	sst s3  }
0xc: {  	[smem:$0x3FB2] =	sst s4  }
0xd: {  	[smem:$0x3FB3] =	sst s5  }
0xe: {  	[smem:$0x3FB4] =	sst s6  }
0xf: {  	[smem:$0x3FB5] =	sst s7  }
0x10: {  	[smem:$0x3FB6] =	sst s8  }
0x11: {  	[smem:$0x3FB7] =	sst s9;
	s0 =	simm.s32 @!p0 $0x0  }
0x12: {  	s1 =	sld [smem:$0x3F9D];
	s0 =	simm.s32 @p0 $0x1  }
0x13: {  	[smem:$0x3FB8] =	sst s0;
	s0 =	simm.s32 @!p1 $0x0  }
0x14: {  	s2 =	sld [smem:$0x3F9C];
	s0 =	simm.s32 @p1 $0x1  }
0x15: {  	[smem:$0x3FB9] =	sst s0;
	s0 =	simm.s32 @!p2 $0x0  }
0x16: {  	s3 =	sld [smem:$0x3FDB];
	s0 =	simm.s32 @p2 $0x1  }
0x17: {  	s4 =	simm.s32 $0x1BF5;
	[smem:$0x3FBB] =	sst s0  }
0x18: {  	s0 =	sld [smem:$0x3F9E];
	_ =	swait.ge [sflag:s4], $0x0  }
0x19: {  	s7 =	sld [smem:$0x3F9F]  }
0x1a: {  	s8 =	sadd.s32 $0xFFFFE003, lr  }
0x1b: {  	s9 =	sadd.s32 $0xFFFFFEF7, lr;
	s5 =	simm.s32 $0xFFFFFFFF;
	p2 =	slt.u32 s8, $0xFFFFF086  }
0x1c: {  	p1 =	slt.u32 s9, $0xF7A;
	s5 =	simm.s32 @!p2 $0x0  }
0x1d: {  	s5 =	simm.s32 @p1 $0x1;
	p0 =	seq.s32 s7, s2  }
0x1e: {  	s7 =	smul.u32 @!p0 $0xF7A, s2;
	p2 =	seq.s32 @!p0 s5, $0x0  }
0x1f: {  	s9 =	smul.u32 $0xF7A, s1;
	s8 =	simm.s32 @!p0 $0x1BF5;
	p2 =	por !p2, p0  }
0x20: {  	[sflag:s8] =	ssyncset.s32 @!p0 $0xFFFFF086;
	s6 =	sadd.s32 @!p0 s3, s7;
	s7 =	simm.s32 @!p0 $0x108  }
0x21: {  	s3 =	sadd.s32 s3, s9;
	s6 =	sadd.s32 @!p0 $0x88, s6;
	s7 =	simm.s32 @p2 $0x1082  }
0x22: {  	[simem:s7], [sflag:s8] =	dma.local @!p0 [hbm:s6], $0xF7A  }
0x23: {  	s9 =	sor.u32 $0xD0000000, s2;
	s6 =	simm.s32 $0x108;
	_ =	swait.ge @!p0 [sflag:s8], $0x0  }
0x24: {  	s3 =	sadd.s32 $0x88, s3;
	s6 =	simm.s32 @!p1 $0x1082;
	[sflag:s4] =	ssyncset.s32 $0xFFFFF086  }
0x25: {  	[simem:s6], [sflag:s4] =	dma.local [hbm:s3], $0xF7A  }
0x26: {  	[smem:$0x3F9F] =	sst s1;
	(tag) =	ssettag s2;
	_ =	strace s9  }
0x27: {  	s1 =	sld [smem:$0x3FAF]  }
0x28: {  	s2 =	sld [smem:$0x3FB0]  }
0x29: {  	s4 =	sld [smem:$0x3FB2]  }
0x2a: {  	p0 =	seq.s32 s5, $0x0;
	s5 =	sld [smem:$0x3FB3]  }
0x2b: {  	s6 =	sld [smem:$0x3FB4]  }
0x2c: {  	s7 =	sld [smem:$0x3FB5]  }
0x2d: {  	s3 =	simm.s32 $0x108;
	s8 =	sld [smem:$0x3FB6]  }
0x2e: {  	s3 =	simm.s32 @!p0 $0x1082;
	s9 =	sld [smem:$0x3FB7]  }
0x2f: {  	lr =	sadd.s32 s0, s3;
	s0 =	sld [smem:$0x3FAE]  }
0x30: {  	s3 =	sld [smem:$0x3FB1]  }
0x31: {  	[smem:$0x3FBA] =	sst s10  }
0x32: {  	s10 =	sld [smem:$0x3FB8];
	_ =	sdelay $0x3  }
0x33: {  	p0 =	seq.s32 s10, $0x1;
	s10 =	sld [smem:$0x3FBA];
	_ =	sdelay $0x3  }
0x34: {  	[smem:$0x3FBA] =	sst s10  }
0x35: {  	s10 =	sld [smem:$0x3FB9];
	_ =	sdelay $0x3  }
0x36: {  	p1 =	seq.s32 s10, $0x1;
	s10 =	sld [smem:$0x3FBA];
	_ =	sdelay $0x3  }
0x37: {  	[smem:$0x3FBA] =	sst s10  }
0x38: {  	s10 =	sld [smem:$0x3FBB]  }
0x39: {  	_ = 	snop;
	(pc) =	sbr.ind lr, $3  }
0x3a: {  	_ = 	snop  }
0x3b: {  	_ = 	snop  }
0x3c: {  	p2 =	seq.s32 s10, $0x1;
	s10 =	sld [smem:$0x3FBA]  }
0x3d: {  	_ =	shalt  }
0x3e: {  	_ =	shalt  }
0x3f: {  	_ =	shalt  }
0x40: {  	_ =	shalt  }
0x41: {  	_ =	shalt  }
0x42: {  	_ =	shalt  }
0x43: {  	_ =	shalt  }
0x44: {  	_ =	shalt  }
0x45: {  	_ =	shalt  }
0x46: {  	_ =	shalt  }
0x47: {  	_ =	shalt  }
0x48: {  	_ =	shalt  }
0x49: {  	_ =	shalt  }
0x4a: {  	_ =	shalt  }
0x4b: {  	_ =	shalt  }
0x4c: {  	_ =	shalt  }
0x4d: {  	_ =	shalt  }
0x4e: {  	_ =	shalt  }
0x4f: {  	_ =	shalt  }
0x50: {  	_ =	shalt  }
0x51: {  	_ =	shalt  }
0x52: {  	_ =	shalt  }
0x53: {  	_ =	shalt  }
0x54: {  	_ =	shalt  }
0x55: {  	_ =	shalt  }
0x56: {  	_ =	shalt  }
0x57: {  	_ =	shalt  }
0x58: {  	_ =	shalt  }
0x59: {  	_ =	shalt  }
0x5a: {  	_ =	shalt  }
0x5b: {  	_ =	shalt  }
0x5c: {  	_ =	shalt  }
0x5d: {  	_ =	shalt  }
0x5e: {  	_ =	shalt  }
0x5f: {  	_ =	shalt  }
0x60: {  	_ =	shalt  }
0x61: {  	_ =	shalt  }
0x62: {  	_ =	shalt  }
0x63: {  	_ =	shalt  }
0x64: {  	_ =	shalt  }
0x65: {  	_ =	shalt  }
0x66: {  	_ =	shalt  }
0x67: {  	_ =	shalt  }
0x68: {  	_ =	shalt  }
0x69: {  	_ =	shalt  }
0x6a: {  	_ =	shalt  }
0x6b: {  	_ =	shalt  }
0x6c: {  	_ =	shalt  }
0x6d: {  	_ =	shalt  }
0x6e: {  	_ =	shalt  }
0x6f: {  	_ =	shalt  }
0x70: {  	_ =	shalt  }
0x71: {  	_ =	shalt  }
0x72: {  	_ =	shalt  }
0x73: {  	_ =	shalt  }
0x74: {  	_ =	shalt  }
0x75: {  	_ =	shalt  }
0x76: {  	_ =	shalt  }
0x77: {  	_ =	shalt  }
0x78: {  	_ =	shalt  }
0x79: {  	_ =	shalt  }
0x7a: {  	_ =	shalt  }
0x7b: {  	_ =	shalt  }
0x7c: {  	_ =	shalt  }
0x7d: {  	_ =	shalt  }
0x7e: {  	_ =	shalt  }
0x7f: {  	_ =	shalt  }
0x80: {  	_ =	shalt  }
0x81: {  	_ =	shalt  }
0x82: {  	_ =	shalt  }
0x83: {  	_ =	shalt  }
0x84: {  	_ =	shalt  }
0x85: {  	_ =	shalt  }
0x86: {  	_ =	shalt  }
0x87: {  	_ =	shalt  }
.Lfunc_end0:
.L_simem_size_0:
called_computation.1_lowered:
.L_overlay_start_0:
0x88: {  	s2 =	sld [smem:$0x3FD9]  }
0x89: {  	s3 =	sld [smem:$0x3FFE];
	_ =	sdelay $0x1  }
0x8a: {  	s1 =	srdreg.scid  }
0x8b: {  	s0 =	sand.u32 $0x1, s1  }
0x8c: {  	s14 =	sshll.u32 s0, $0xA;
	s2 =	sadd.s32 s3, s2  }
0x8d: {  	s2 =	sadd.s32 s2, s14  }
0x8e: {  	[smem:$0x3FC6] =	sst s2  }
0x8f: {  	_ = 	snop  }
0x90: {  	s2 =	sld [smem:$0x3FD0];
	_ =	sdelay $0x2  }
0x91: {  	s15 =	simm.s32 $0xA;
	s4 =	simm.s32 $0x10  }
0x92: {  	[smem:s4], [sflag:s15] =	dma.local [hbm:s2], $0x1  }
0x93: {  	_ =	swait.eq [sflag:s15], $0x1  }
0x94: {  	[sflag:s15] =	ssyncset.done $0x0  }
0x95: {  	[sflag:s15] =	ssyncadd.s32 $0xFFFFFFFF  }
0x96: {  	s16 =	sld [smem:$0x10];
	(tm) =	ssettm $0x1  }
0x97: {  	s17 =	sld [smem:$0x3FFB];
	_ =	sdelay $0x3  }
0x98: {  	_ =	strace s17  }
0x99: {  	s3 =	sld [smem:$0x3FFC];
	_ =	sdelay $0x3  }
0x9a: {  	_ =	strace s3  }
0x9b: {  	s3 =	sld [smem:$0x3FFD];
	_ =	sdelay $0x3  }
0x9c: {  	_ =	strace s3  }
0x9d: {  	_ =	strace $0x8FFFFFFF  }
0x9e: {  	s18 =	sld [smem:$0x3FDB];
	_ =	sdelay $0x1  }
0x9f: {  	s19 =	simm.s32 $_scs_section_size  }
0xa0: {  	s5 =	simm.s32 $_size__tile_overlayer_lowered;
	s6 =	simm.s32 $_tile_overlayer_lowered  }
0xa1: {  	s22 =	simm.s32 $0x1BFF;
	s21 =	sshll.u32 s6, $0x1;
	s3 =	sadd.s32 s19, s18  }
0xa2: {  	s7 =	simm.s32 $0x0;
	s20 =	sshll.u32 s5, $0x1;
	s5 =	sadd.s32 s21, s3  }
0xa3: {  	[timem:s7], [sflag:s22] =	dma.local [hbm:s5], s20  }
0xa4: {  	_ =	swait.ge [sflag:s22], s20  }
0xa5: {  	s4 =	ssub.s32 $0x0, s20;
	[sflag:s22] =	ssyncset.done $0x0  }
0xa6: {  	[sflag:s22] =	ssyncadd.s32 s4;
	_ =	sdelay $0x1  }
0xa7: {  	s23 =	simm.s32 $0x1B8B  }
0xa8: {  	_ =	swait.ge [sflag:s23], $0x1  }
0xa9: {  	[sflag:s23] =	ssyncset.done $0x0  }
0xaa: {  	s25 =	simm.s32 $0x1B8E;
	s24 =	sld [smem:$0x3FFE];
	[sflag:s23] =	ssyncadd.s32 $0xFFFFFFFF  }
0xab: {  	s26 =	simm.s32 $execute0_lowered;
	[smem:$0x3FD2] =	sst s25  }
0xac: {  	s5 =	sshll.u32 s26, $0x1;
	_ =	strace $0x80000046;
	[dreg:$0x1] =	wrdreg $0xFFFFFFFF  }
0xad: {  	s28 =	simm.s32 $_size_execute0_lowered;
	s3 =	sadd.s32 s3, s5;
	[dreg:$0x0] =	wrdreg $0x0  }
0xae: {  	s5 =	sshll.u32 s28, $0x1;
	[dreg:$0x2] =	wrdreg s3  }
0xaf: {  	[dreg:$0x3] =	wrdreg s5  }
0xb0: {  	[dreg:$0x4] =	wrdreg $0xC0  }
0xb1: {  	_ =	task [dreg:s7], $0x5FFFF  }
0xb2: {  	[dreg:$0x1] =	wrdreg $0xFFFFFFFF  }
0xb3: {  	[dreg:$0x0] =	wrdreg $0x60  }
0xb4: {  	[dreg:$0x2] =	wrdreg s24  }
0xb5: {  	[dreg:$0x3] =	wrdreg s16  }
0xb6: {  	[dreg:$0x4] =	wrdreg $0x9  }
0xb7: {  	_ =	task.clear_ibuf [dreg:s7], $0x5FFFF;
	_ =	strace $0x90000046  }
0xb8: {  	s29 =	simm.s32 $0x9;
	_ =	strace $0x80000048  }
0xb9: {  	_ =	swait.ge [sflag:s29], $0x1  }
0xba: {  	[sflag:s29] =	ssyncadd.s32 $0xFFFFFFFF  }
0xbb: {  	_ =	strace $0x90000048  }
0xbc: {  	_ =	sfence  }
0xbd: {  	s30 =	sld [smem:$0x0];
	_ =	sdelay $0x2  }
0xbe: {  	s31 =	sshll.u32 s1, $0xD;
	s1 =	sshrl.u32 s1, $0x2  }
0xbf: {  	s3 =	sand.u32 $0x4000, s31;
	s1 =	sadd.s32 s1, s30  }
0xc0: {  	s0 =	sor.u32 s3, s0;
	s1 =	sshll.u32 s1, $0x11  }
0xc1: {  	s0 =	sor.u32 s1, s0  }
0xc2: {  	s0 =	sadd.s32 $0x8F2B, s0  }
0xc3: {  	[sflag:s0] =	ssyncadd.remote.s32 $0x1  }
0xc4: {  	_ =	sfence.sel $0xFFFF  }
0xc5: {  	[dreg:$0x0] =	wrdreg $0xFFFFFFFF;
	(pc) =	sbr.abs _section_cstart, $3  }
0xc6: {  	[dreg:$0x1] =	wrdreg $0xFFFFFFFF  }
0xc7: {  	_ =	task.clear_ibuf [dreg:s7], $0x2FFFF;
	_ =	strace $0x9FFFFFFF  }
0xc8: {  	(tm) =	ssettm $0x7FFFFFFF  }
0xc9: {  	_ =	shalt  }
tec
execute0_lowered:
.L_overlay_start_1:
0x0: {  	(tag) =	ssettag $0x1  }
0x1: {  	s0 =	srdreg.scid  }
0x2: {  	s7 =	rddreg [dreg:$0x0];
	s1 =	stileid.u32  }
0x3: {  	s30 =	rddreg [dreg:$0x1];
	s2 =	simm.s32 $0x0;
	s31 =	sand.u32 $0x1, s0  }
0x4: {  	s18 =	sshll.u32 s1, $0xD;
	[smem:$0x7FF] =	sst s2;
	s3 =	sshll.u32 s31, $0xC  }
0x5: {  	s1 =	sadd.s32 $0x87800, s7;
	_ =	strace $0x80000047;
	s0 =	sor.u32 s3, s18  }
0x6: {  	[dreg:$0x8] =	wrdreg s1;
	s3 =	sshrl.u32 s0, $0x3;
	s4 =	sshll.u32 s0, $0x3  }
0x7: {  	s20 =	sshll.u32 s0, $0x1;
	s22 =	sor.u32 $0x200, s0;
	s19 =	sadd.s32 s30, s4  }
0x8: {  	s3 =	sadd.s32 s3, s7;
	s21 =	sadd.s32 s1, s20;
	[dreg:$0x4] =	wrdreg s19  }
0x9: {  	s4 =	sshll.u32 s22, $0x1;
	s3 =	sadd.s32 $0x3800, s3;
	[dreg:$0x5] =	wrdreg s21  }
0xa: {  	s24 =	sadd.s32 s1, s4;
	[dreg:$0x3] =	wrdreg s3  }
0xb: {  	s23 =	sshll.u32 s22, $0x3;
	[dreg:$0x7] =	wrdreg s24  }
0xc: {  	s3 =	sadd.s32 s30, s23;
	s5 =	rddreg [dreg:$0x3]  }
0xd: {  	[dreg:$0x6] =	wrdreg s3;
	s3 =	simm.s32 $0x3  }
0xe: {  	[tilespmem:s2], [sflag:$0x3] =	stream.linear.gather [hbm4b:s5+s2], $0x1000, $0x38;
	[tilespmem:$0x15000] =	vst v63  }
0xf: {  	_ =	swait.ge [sflag:s3], $0x1000  }
0x10: {  	s6 =	simm.s32 $0x1000;
	[sflag:s3] =	ssyncset.done $0x0  }
0x11: {  	s4 =	sadd.s32 $0x7800, s7;
	s5 =	simm.s32 $0x200;
	[sflag:s3] =	ssyncadd.s32 $0xFFFFF000  }
0x12: {  	[tilespmem:s6], [sflag:$0x1] =	stream.indirect.gather [hbm4b:s4+s5], $0x40, s2, s5, $0xb8;
	[tilespmem:$0x15000] =	vst v63  }
0x13: {  	s8 =	simm.s32 $0x11000;
	s7 =	sadd.s32 $0x107800, s7  }
0x14: {  	[tilespmem:s8], [sflag:$0x2] =	stream.indirect.gather [hbm4b:s7+s5], $0x10, s2, s5, $0xb8;
	[tilespmem:$0x15000] =	vst v63  }
0x15: {  	s9 =	simm.s32 $0x9000  }
0x16: {  	[tilespmem:s9], [sflag:$0x1] =	stream.indirect.gather [hbm4b:s4+s5], $0x40, s5, s5, $0xb8;
	[tilespmem:$0x15000] =	vst v63  }
0x17: {  	s10 =	simm.s32 $0x13000;
	s11 =	simm.s32 $0x1  }
0x18: {  	[tilespmem:s10], [sflag:$0x2] =	stream.indirect.gather [hbm4b:s7+s5], $0x10, s5, s5, $0xb8;
	[tilespmem:$0x15000] =	vst v63  }
0x19: {  	_ =	swait.ge [sflag:s11], $0x8000  }
0x1a: {  	[sflag:s11] =	ssyncset.done $0x0  }
0x1b: {  	s12 =	simm.s32 $0x2;
	[sflag:s11] =	ssyncadd.s32 $0xFFFF8000  }
0x1c: {  	_ =	swait.ge [sflag:s12], $0x2000  }
0x1d: {  	[sflag:s12] =	ssyncset.done $0x0  }
0x1e: {  	s13 =	rddreg [dreg:$0x4];
	[sflag:s12] =	ssyncadd.s32 $0xFFFFE000  }
0x1f: {  	[hbm4b:s13+s2] =	stream.linear.scatter [tilespmem:s6], [sflag:$0x3], $0x8000, $0x38;
	[tilespmem:$0x15000] =	vst v63  }
0x20: {  	_ =	swait.ge [sflag:s3], $0x8000  }
0x21: {  	[sflag:s3] =	ssyncset.done $0x0  }
0x22: {  	s25 =	rddreg [dreg:$0x5];
	[sflag:s3] =	ssyncadd.s32 $0xFFFF8000  }
0x23: {  	[hbm4b:s25+s2] =	stream.linear.scatter [tilespmem:s8], [sflag:$0x3], $0x2000, $0x38;
	[tilespmem:$0x15000] =	vst v63  }
0x24: {  	_ =	swait.ge [sflag:s3], $0x2000  }
0x25: {  	[sflag:s3] =	ssyncset.done $0x0  }
0x26: {  	s13 =	simm.s32 $0x400;
	[sflag:s3] =	ssyncadd.s32 $0xFFFFE000  }
0x27: {  	[tilespmem:s6], [sflag:$0x1] =	stream.indirect.gather [hbm4b:s4+s5], $0x40, s13, s5, $0xb8;
	[tilespmem:$0x15000] =	vst v63  }
0x28: {  	_ = 	snop  }
0x29: {  	[tilespmem:s8], [sflag:$0x2] =	stream.indirect.gather [hbm4b:s7+s5], $0x10, s13, s5, $0xb8;
	[tilespmem:$0x15000] =	vst v63  }
0x2a: {  	_ =	swait.ge [sflag:s11], $0x8000  }
0x2b: {  	[sflag:s11] =	ssyncset.done $0x0  }
0x2c: {  	[sflag:s11] =	ssyncadd.s32 $0xFFFF8000  }
0x2d: {  	_ =	swait.ge [sflag:s12], $0x2000  }
0x2e: {  	[sflag:s12] =	ssyncset.done $0x0  }
0x2f: {  	s14 =	rddreg [dreg:$0x6];
	[sflag:s12] =	ssyncadd.s32 $0xFFFFE000  }
0x30: {  	[hbm4b:s14+s2] =	stream.linear.scatter [tilespmem:s9], [sflag:$0x3], $0x8000, $0x38;
	[tilespmem:$0x15000] =	vst v63  }
0x31: {  	_ =	swait.ge [sflag:s3], $0x8000  }
0x32: {  	[sflag:s3] =	ssyncset.done $0x0  }
0x33: {  	s26 =	rddreg [dreg:$0x7];
	[sflag:s3] =	ssyncadd.s32 $0xFFFF8000  }
0x34: {  	[hbm4b:s26+s2] =	stream.linear.scatter [tilespmem:s10], [sflag:$0x3], $0x2000, $0x38;
	[tilespmem:$0x15000] =	vst v63  }
0x35: {  	_ =	swait.ge [sflag:s3], $0x2000  }
0x36: {  	[sflag:s3] =	ssyncset.done $0x0  }
0x37: {  	s14 =	simm.s32 $0x600;
	[sflag:s3] =	ssyncadd.s32 $0xFFFFE000  }
0x38: {  	[tilespmem:s9], [sflag:$0x1] =	stream.indirect.gather [hbm4b:s4+s5], $0x40, s14, s5, $0xb8;
	[tilespmem:$0x15000] =	vst v63  }
0x39: {  	_ = 	snop  }
0x3a: {  	[tilespmem:s10], [sflag:$0x2] =	stream.indirect.gather [hbm4b:s7+s5], $0x10, s14, s5, $0xb8;
	[tilespmem:$0x15000] =	vst v63  }
0x3b: {  	_ =	swait.ge [sflag:s11], $0x8000  }
0x3c: {  	[sflag:s11] =	ssyncset.done $0x0  }
0x3d: {  	[sflag:s11] =	ssyncadd.s32 $0xFFFF8000  }
0x3e: {  	s16 =	sor.u32 $0x400, s0;
	_ =	swait.ge [sflag:s12], $0x2000  }
0x3f: {  	s15 =	sshll.u32 s16, $0x3;
	[sflag:s12] =	ssyncset.done $0x0  }
0x40: {  	s15 =	sadd.s32 s30, s15;
	[sflag:s12] =	ssyncadd.s32 $0xFFFFE000  }
0x41: {  	[hbm4b:s15+s2] =	stream.linear.scatter [tilespmem:s6], [sflag:$0x3], $0x8000, $0x38;
	[tilespmem:$0x15000] =	vst v63  }
0x42: {  	_ =	swait.ge [sflag:s3], $0x8000  }
0x43: {  	s16 =	sshll.u32 s16, $0x1;
	[sflag:s3] =	ssyncset.done $0x0  }
0x44: {  	s16 =	sadd.s32 s1, s16;
	[sflag:s3] =	ssyncadd.s32 $0xFFFF8000  }
0x45: {  	[hbm4b:s16+s2] =	stream.linear.scatter [tilespmem:s8], [sflag:$0x3], $0x2000, $0x38;
	[tilespmem:$0x15000] =	vst v63  }
0x46: {  	_ =	swait.ge [sflag:s3], $0x2000  }
0x47: {  	[sflag:s3] =	ssyncset.done $0x0  }
0x48: {  	s17 =	simm.s32 $0x800;
	[sflag:s3] =	ssyncadd.s32 $0xFFFFE000  }
0x49: {  	[tilespmem:s6], [sflag:$0x1] =	stream.indirect.gather [hbm4b:s4+s5], $0x40, s17, s5, $0xb8;
	[tilespmem:$0x15000] =	vst v63  }
0x4a: {  	_ = 	snop  }
0x4b: {  	[tilespmem:s8], [sflag:$0x2] =	stream.indirect.gather [hbm4b:s7+s5], $0x10, s17, s5, $0xb8;
	[tilespmem:$0x15000] =	vst v63  }
0x4c: {  	_ =	swait.ge [sflag:s11], $0x8000  }
0x4d: {  	[sflag:s11] =	ssyncset.done $0x0  }
0x4e: {  	[sflag:s11] =	ssyncadd.s32 $0xFFFF8000  }
0x4f: {  	s19 =	sor.u32 $0x600, s0;
	_ =	swait.ge [sflag:s12], $0x2000  }
0x50: {  	s18 =	sshll.u32 s19, $0x3;
	[sflag:s12] =	ssyncset.done $0x0  }
0x51: {  	s18 =	sadd.s32 s30, s18;
	[sflag:s12] =	ssyncadd.s32 $0xFFFFE000  }
0x52: {  	[hbm4b:s18+s2] =	stream.linear.scatter [tilespmem:s9], [sflag:$0x3], $0x8000, $0x38;
	[tilespmem:$0x15000] =	vst v63  }
0x53: {  	_ =	swait.ge [sflag:s3], $0x8000  }
0x54: {  	s19 =	sshll.u32 s19, $0x1;
	[sflag:s3] =	ssyncset.done $0x0  }
0x55: {  	s19 =	sadd.s32 s1, s19;
	[sflag:s3] =	ssyncadd.s32 $0xFFFF8000  }
0x56: {  	[hbm4b:s19+s2] =	stream.linear.scatter [tilespmem:s10], [sflag:$0x3], $0x2000, $0x38;
	[tilespmem:$0x15000] =	vst v63  }
0x57: {  	_ =	swait.ge [sflag:s3], $0x2000  }
0x58: {  	[sflag:s3] =	ssyncset.done $0x0  }
0x59: {  	s20 =	simm.s32 $0xA00;
	[sflag:s3] =	ssyncadd.s32 $0xFFFFE000  }
0x5a: {  	[tilespmem:s9], [sflag:$0x1] =	stream.indirect.gather [hbm4b:s4+s5], $0x40, s20, s5, $0xb8;
	[tilespmem:$0x15000] =	vst v63  }
0x5b: {  	_ = 	snop  }
0x5c: {  	[tilespmem:s10], [sflag:$0x2] =	stream.indirect.gather [hbm4b:s7+s5], $0x10, s20, s5, $0xb8;
	[tilespmem:$0x15000] =	vst v63  }
0x5d: {  	_ =	swait.ge [sflag:s11], $0x8000  }
0x5e: {  	[sflag:s11] =	ssyncset.done $0x0  }
0x5f: {  	[sflag:s11] =	ssyncadd.s32 $0xFFFF8000  }
0x60: {  	s22 =	sor.u32 $0x800, s0;
	_ =	swait.ge [sflag:s12], $0x2000  }
0x61: {  	s21 =	sshll.u32 s22, $0x3;
	[sflag:s12] =	ssyncset.done $0x0  }
0x62: {  	s21 =	sadd.s32 s30, s21;
	[sflag:s12] =	ssyncadd.s32 $0xFFFFE000  }
0x63: {  	[hbm4b:s21+s2] =	stream.linear.scatter [tilespmem:s6], [sflag:$0x3], $0x8000, $0x38;
	[tilespmem:$0x15000] =	vst v63  }
0x64: {  	_ =	swait.ge [sflag:s3], $0x8000  }
0x65: {  	s22 =	sshll.u32 s22, $0x1;
	[sflag:s3] =	ssyncset.done $0x0  }
0x66: {  	s22 =	sadd.s32 s1, s22;
	[sflag:s3] =	ssyncadd.s32 $0xFFFF8000  }
0x67: {  	[hbm4b:s22+s2] =	stream.linear.scatter [tilespmem:s8], [sflag:$0x3], $0x2000, $0x38;
	[tilespmem:$0x15000] =	vst v63  }
0x68: {  	_ =	swait.ge [sflag:s3], $0x2000  }
0x69: {  	[sflag:s3] =	ssyncset.done $0x0  }
0x6a: {  	s23 =	simm.s32 $0xC00;
	[sflag:s3] =	ssyncadd.s32 $0xFFFFE000  }
0x6b: {  	[tilespmem:s6], [sflag:$0x1] =	stream.indirect.gather [hbm4b:s4+s5], $0x40, s23, s5, $0xb8;
	[tilespmem:$0x15000] =	vst v63  }
0x6c: {  	_ = 	snop  }
0x6d: {  	[tilespmem:s8], [sflag:$0x2] =	stream.indirect.gather [hbm4b:s7+s5], $0x10, s23, s5, $0xb8;
	[tilespmem:$0x15000] =	vst v63  }
0x6e: {  	_ =	swait.ge [sflag:s11], $0x8000  }
0x6f: {  	[sflag:s11] =	ssyncset.done $0x0  }
0x70: {  	[sflag:s11] =	ssyncadd.s32 $0xFFFF8000  }
0x71: {  	s25 =	sor.u32 $0xA00, s0;
	_ =	swait.ge [sflag:s12], $0x2000  }
0x72: {  	s24 =	sshll.u32 s25, $0x3;
	[sflag:s12] =	ssyncset.done $0x0  }
0x73: {  	s24 =	sadd.s32 s30, s24;
	[sflag:s12] =	ssyncadd.s32 $0xFFFFE000  }
0x74: {  	[hbm4b:s24+s2] =	stream.linear.scatter [tilespmem:s9], [sflag:$0x3], $0x8000, $0x38;
	[tilespmem:$0x15000] =	vst v63  }
0x75: {  	_ =	swait.ge [sflag:s3], $0x8000  }
0x76: {  	s25 =	sshll.u32 s25, $0x1;
	[sflag:s3] =	ssyncset.done $0x0  }
0x77: {  	s25 =	sadd.s32 s1, s25;
	[sflag:s3] =	ssyncadd.s32 $0xFFFF8000  }
0x78: {  	[hbm4b:s25+s2] =	stream.linear.scatter [tilespmem:s10], [sflag:$0x3], $0x2000, $0x38;
	[tilespmem:$0x15000] =	vst v63  }
0x79: {  	_ =	swait.ge [sflag:s3], $0x2000  }
0x7a: {  	[sflag:s3] =	ssyncset.done $0x0  }
0x7b: {  	s26 =	simm.s32 $0xE00;
	[sflag:s3] =	ssyncadd.s32 $0xFFFFE000  }
0x7c: {  	[tilespmem:s9], [sflag:$0x1] =	stream.indirect.gather [hbm4b:s4+s5], $0x40, s26, s5, $0xb8;
	[tilespmem:$0x15000] =	vst v63  }
0x7d: {  	_ = 	snop  }
0x7e: {  	[tilespmem:s10], [sflag:$0x2] =	stream.indirect.gather [hbm4b:s7+s5], $0x10, s26, s5, $0xb8;
	[tilespmem:$0x15000] =	vst v63  }
0x7f: {  	_ =	swait.ge [sflag:s11], $0x8000  }
0x80: {  	[sflag:s11] =	ssyncset.done $0x0  }
0x81: {  	[sflag:s11] =	ssyncadd.s32 $0xFFFF8000  }
0x82: {  	s29 =	sor.u32 $0xC00, s0;
	_ =	swait.ge [sflag:s12], $0x2000  }
0x83: {  	s28 =	sshll.u32 s29, $0x3;
	[sflag:s12] =	ssyncset.done $0x0  }
0x84: {  	s28 =	sadd.s32 s30, s28;
	[sflag:s12] =	ssyncadd.s32 $0xFFFFE000  }
0x85: {  	[hbm4b:s28+s2] =	stream.linear.scatter [tilespmem:s6], [sflag:$0x3], $0x8000, $0x38;
	[tilespmem:$0x15000] =	vst v63  }
0x86: {  	_ =	swait.ge [sflag:s3], $0x8000  }
0x87: {  	s29 =	sshll.u32 s29, $0x1;
	[sflag:s3] =	ssyncset.done $0x0  }
0x88: {  	s29 =	sadd.s32 s1, s29;
	[sflag:s3] =	ssyncadd.s32 $0xFFFF8000  }
0x89: {  	[hbm4b:s29+s2] =	stream.linear.scatter [tilespmem:s8], [sflag:$0x3], $0x2000, $0x38;
	[tilespmem:$0x15000] =	vst v63  }
0x8a: {  	_ =	swait.ge [sflag:s3], $0x2000  }
0x8b: {  	[sflag:s3] =	ssyncset.done $0x0  }
0x8c: {  	s0 =	sor.u32 $0xE00, s0;
	[sflag:s3] =	ssyncadd.s32 $0xFFFFE000  }
0x8d: {  	s1 =	sshll.u32 s0, $0x3;
	_ =	swait.ge [sflag:s11], $0x8000  }
0x8e: {  	s30 =	sadd.s32 s30, s1;
	s1 =	ssub.s32 $0x2, s31;
	[sflag:s11] =	ssyncset.done $0x0  }
0x8f: {  	s31 =	sshrl.u32 s1, $0x1;
	[sflag:s11] =	ssyncadd.s32 $0xFFFF8000  }
0x90: {  	s1 =	ssub.s32 s1, s31;
	_ =	swait.ge [sflag:s12], $0x2000  }
0x91: {  	s1 =	smax.u32 s1, $0x1;
	[sflag:s12] =	ssyncset.done $0x0  }
0x92: {  	p0 =	sne.s32 s1, $0x1;
	[sflag:s12] =	ssyncadd.s32 $0xFFFFE000  }
0x93: {  	[hbm4b:s30+s2] =	stream.linear.scatter [tilespmem:s9], [sflag:$0x3], $0x8000, $0x38;
	[tilespmem:$0x15000] =	vst v63  }
.Ltmp0:
0x94: {  	_ =	swait.ge [sflag:s3], $0x8000;
	(pc) =	sbr.rel @!p0 .LBB2_2-.Ltmp0, $4  }
0x95: {  	s0 =	sshll.u32 s0, $0x1;
	[sflag:s3] =	ssyncset.done $0x0;
	s31 =	rddreg [dreg:$0x8]  }
0x96: {  	s31 =	sadd.s32 s31, s0;
	[sflag:s3] =	ssyncadd.s32 $0xFFFF8000  }
0x97: {  	[hbm4b:s31+s2] =	stream.linear.scatter [tilespmem:s10], [sflag:$0x3], $0x2000, $0x38;
	[tilespmem:$0x15000] =	vst v63  }
0x98: {  	s1 =	sadd.s32 $0xFFFFFFFF, s1;
	_ =	swait.ge [sflag:s3], $0x2000  }
.LBB2_1:
0x99: {  	[sflag:s3] =	ssyncset.done $0x0  }
0x9a: {  	s0 =	rddreg [dreg:$0x3];
	[sflag:s3] =	ssyncadd.s32 $0xFFFFE000  }
0x9b: {  	[tilespmem:s2], [sflag:$0x3] =	stream.linear.gather [hbm4b:s0+s2], $0x1000, $0x38;
	[tilespmem:$0x15000] =	vst v63  }
0x9c: {  	_ =	swait.ge [sflag:s3], $0x1000  }
0x9d: {  	[sflag:s3] =	ssyncset.done $0x0  }
0x9e: {  	[sflag:s3] =	ssyncadd.s32 $0xFFFFF000  }
0x9f: {  	[tilespmem:s6], [sflag:$0x1] =	stream.indirect.gather [hbm4b:s4+s5], $0x40, s2, s5, $0xb8;
	[tilespmem:$0x15000] =	vst v63  }
0xa0: {  	_ = 	snop  }
0xa1: {  	[tilespmem:s8], [sflag:$0x2] =	stream.indirect.gather [hbm4b:s7+s5], $0x10, s2, s5, $0xb8;
	[tilespmem:$0x15000] =	vst v63  }
0xa2: {  	_ = 	snop  }
0xa3: {  	[tilespmem:s9], [sflag:$0x1] =	stream.indirect.gather [hbm4b:s4+s5], $0x40, s5, s5, $0xb8;
	[tilespmem:$0x15000] =	vst v63  }
0xa4: {  	_ = 	snop  }
0xa5: {  	[tilespmem:s10], [sflag:$0x2] =	stream.indirect.gather [hbm4b:s7+s5], $0x10, s5, s5, $0xb8;
	[tilespmem:$0x15000] =	vst v63  }
0xa6: {  	_ =	swait.ge [sflag:s11], $0x8000  }
0xa7: {  	[sflag:s11] =	ssyncset.done $0x0  }
0xa8: {  	[sflag:s11] =	ssyncadd.s32 $0xFFFF8000  }
0xa9: {  	_ =	swait.ge [sflag:s12], $0x2000  }
0xaa: {  	[sflag:s12] =	ssyncset.done $0x0  }
0xab: {  	s0 =	rddreg [dreg:$0x4];
	[sflag:s12] =	ssyncadd.s32 $0xFFFFE000  }
0xac: {  	[hbm4b:s0+s2] =	stream.linear.scatter [tilespmem:s6], [sflag:$0x3], $0x8000, $0x38;
	[tilespmem:$0x15000] =	vst v63  }
0xad: {  	_ =	swait.ge [sflag:s3], $0x8000  }
0xae: {  	[sflag:s3] =	ssyncset.done $0x0  }
0xaf: {  	s0 =	rddreg [dreg:$0x5];
	[sflag:s3] =	ssyncadd.s32 $0xFFFF8000  }
0xb0: {  	[hbm4b:s0+s2] =	stream.linear.scatter [tilespmem:s8], [sflag:$0x3], $0x2000, $0x38;
	[tilespmem:$0x15000] =	vst v63  }
0xb1: {  	_ =	swait.ge [sflag:s3], $0x2000  }
0xb2: {  	[sflag:s3] =	ssyncset.done $0x0  }
0xb3: {  	[sflag:s3] =	ssyncadd.s32 $0xFFFFE000  }
0xb4: {  	[tilespmem:s6], [sflag:$0x1] =	stream.indirect.gather [hbm4b:s4+s5], $0x40, s13, s5, $0xb8;
	[tilespmem:$0x15000] =	vst v63  }
0xb5: {  	_ = 	snop  }
0xb6: {  	[tilespmem:s8], [sflag:$0x2] =	stream.indirect.gather [hbm4b:s7+s5], $0x10, s13, s5, $0xb8;
	[tilespmem:$0x15000] =	vst v63  }
0xb7: {  	_ =	swait.ge [sflag:s11], $0x8000  }
0xb8: {  	[sflag:s11] =	ssyncset.done $0x0  }
0xb9: {  	[sflag:s11] =	ssyncadd.s32 $0xFFFF8000  }
0xba: {  	_ =	swait.ge [sflag:s12], $0x2000  }
0xbb: {  	[sflag:s12] =	ssyncset.done $0x0  }
0xbc: {  	s0 =	rddreg [dreg:$0x6];
	[sflag:s12] =	ssyncadd.s32 $0xFFFFE000  }
0xbd: {  	[hbm4b:s0+s2] =	stream.linear.scatter [tilespmem:s9], [sflag:$0x3], $0x8000, $0x38;
	[tilespmem:$0x15000] =	vst v63  }
0xbe: {  	_ =	swait.ge [sflag:s3], $0x8000  }
0xbf: {  	[sflag:s3] =	ssyncset.done $0x0  }
0xc0: {  	s0 =	rddreg [dreg:$0x7];
	[sflag:s3] =	ssyncadd.s32 $0xFFFF8000  }
0xc1: {  	[hbm4b:s0+s2] =	stream.linear.scatter [tilespmem:s10], [sflag:$0x3], $0x2000, $0x38;
	[tilespmem:$0x15000] =	vst v63  }
0xc2: {  	_ =	swait.ge [sflag:s3], $0x2000  }
0xc3: {  	[sflag:s3] =	ssyncset.done $0x0  }
0xc4: {  	[sflag:s3] =	ssyncadd.s32 $0xFFFFE000  }
0xc5: {  	[tilespmem:s9], [sflag:$0x1] =	stream.indirect.gather [hbm4b:s4+s5], $0x40, s14, s5, $0xb8;
	[tilespmem:$0x15000] =	vst v63  }
0xc6: {  	_ = 	snop  }
0xc7: {  	[tilespmem:s10], [sflag:$0x2] =	stream.indirect.gather [hbm4b:s7+s5], $0x10, s14, s5, $0xb8;
	[tilespmem:$0x15000] =	vst v63  }
0xc8: {  	_ =	swait.ge [sflag:s11], $0x8000  }
0xc9: {  	[sflag:s11] =	ssyncset.done $0x0  }
0xca: {  	[sflag:s11] =	ssyncadd.s32 $0xFFFF8000  }
0xcb: {  	_ =	swait.ge [sflag:s12], $0x2000  }
0xcc: {  	[sflag:s12] =	ssyncset.done $0x0  }
0xcd: {  	[sflag:s12] =	ssyncadd.s32 $0xFFFFE000  }
0xce: {  	[hbm4b:s15+s2] =	stream.linear.scatter [tilespmem:s6], [sflag:$0x3], $0x8000, $0x38;
	[tilespmem:$0x15000] =	vst v63  }
0xcf: {  	_ =	swait.ge [sflag:s3], $0x8000  }
0xd0: {  	[sflag:s3] =	ssyncset.done $0x0  }
0xd1: {  	[sflag:s3] =	ssyncadd.s32 $0xFFFF8000  }
0xd2: {  	[hbm4b:s16+s2] =	stream.linear.scatter [tilespmem:s8], [sflag:$0x3], $0x2000, $0x38;
	[tilespmem:$0x15000] =	vst v63  }
0xd3: {  	_ =	swait.ge [sflag:s3], $0x2000  }
0xd4: {  	[sflag:s3] =	ssyncset.done $0x0  }
0xd5: {  	[sflag:s3] =	ssyncadd.s32 $0xFFFFE000  }
0xd6: {  	[tilespmem:s6], [sflag:$0x1] =	stream.indirect.gather [hbm4b:s4+s5], $0x40, s17, s5, $0xb8;
	[tilespmem:$0x15000] =	vst v63  }
0xd7: {  	_ = 	snop  }
0xd8: {  	[tilespmem:s8], [sflag:$0x2] =	stream.indirect.gather [hbm4b:s7+s5], $0x10, s17, s5, $0xb8;
	[tilespmem:$0x15000] =	vst v63  }
0xd9: {  	_ =	swait.ge [sflag:s11], $0x8000  }
0xda: {  	[sflag:s11] =	ssyncset.done $0x0  }
0xdb: {  	[sflag:s11] =	ssyncadd.s32 $0xFFFF8000  }
0xdc: {  	_ =	swait.ge [sflag:s12], $0x2000  }
0xdd: {  	[sflag:s12] =	ssyncset.done $0x0  }
0xde: {  	[sflag:s12] =	ssyncadd.s32 $0xFFFFE000  }
0xdf: {  	[hbm4b:s18+s2] =	stream.linear.scatter [tilespmem:s9], [sflag:$0x3], $0x8000, $0x38;
	[tilespmem:$0x15000] =	vst v63  }
0xe0: {  	_ =	swait.ge [sflag:s3], $0x8000  }
0xe1: {  	[sflag:s3] =	ssyncset.done $0x0  }
0xe2: {  	[sflag:s3] =	ssyncadd.s32 $0xFFFF8000  }
0xe3: {  	[hbm4b:s19+s2] =	stream.linear.scatter [tilespmem:s10], [sflag:$0x3], $0x2000, $0x38;
	[tilespmem:$0x15000] =	vst v63  }
0xe4: {  	_ =	swait.ge [sflag:s3], $0x2000  }
0xe5: {  	[sflag:s3] =	ssyncset.done $0x0  }
0xe6: {  	[sflag:s3] =	ssyncadd.s32 $0xFFFFE000  }
0xe7: {  	[tilespmem:s9], [sflag:$0x1] =	stream.indirect.gather [hbm4b:s4+s5], $0x40, s20, s5, $0xb8;
	[tilespmem:$0x15000] =	vst v63  }
0xe8: {  	_ = 	snop  }
0xe9: {  	[tilespmem:s10], [sflag:$0x2] =	stream.indirect.gather [hbm4b:s7+s5], $0x10, s20, s5, $0xb8;
	[tilespmem:$0x15000] =	vst v63  }
0xea: {  	_ =	swait.ge [sflag:s11], $0x8000  }
0xeb: {  	[sflag:s11] =	ssyncset.done $0x0  }
0xec: {  	[sflag:s11] =	ssyncadd.s32 $0xFFFF8000  }
0xed: {  	_ =	swait.ge [sflag:s12], $0x2000  }
0xee: {  	[sflag:s12] =	ssyncset.done $0x0  }
0xef: {  	[sflag:s12] =	ssyncadd.s32 $0xFFFFE000  }
0xf0: {  	[hbm4b:s21+s2] =	stream.linear.scatter [tilespmem:s6], [sflag:$0x3], $0x8000, $0x38;
	[tilespmem:$0x15000] =	vst v63  }
0xf1: {  	_ =	swait.ge [sflag:s3], $0x8000  }
0xf2: {  	[sflag:s3] =	ssyncset.done $0x0  }
0xf3: {  	[sflag:s3] =	ssyncadd.s32 $0xFFFF8000  }
0xf4: {  	[hbm4b:s22+s2] =	stream.linear.scatter [tilespmem:s8], [sflag:$0x3], $0x2000, $0x38;
	[tilespmem:$0x15000] =	vst v63  }
0xf5: {  	_ =	swait.ge [sflag:s3], $0x2000  }
0xf6: {  	[sflag:s3] =	ssyncset.done $0x0  }
0xf7: {  	[sflag:s3] =	ssyncadd.s32 $0xFFFFE000  }
0xf8: {  	[tilespmem:s6], [sflag:$0x1] =	stream.indirect.gather [hbm4b:s4+s5], $0x40, s23, s5, $0xb8;
	[tilespmem:$0x15000] =	vst v63  }
0xf9: {  	_ = 	snop  }
0xfa: {  	[tilespmem:s8], [sflag:$0x2] =	stream.indirect.gather [hbm4b:s7+s5], $0x10, s23, s5, $0xb8;
	[tilespmem:$0x15000] =	vst v63  }
0xfb: {  	_ =	swait.ge [sflag:s11], $0x8000  }
0xfc: {  	[sflag:s11] =	ssyncset.done $0x0  }
0xfd: {  	[sflag:s11] =	ssyncadd.s32 $0xFFFF8000  }
0xfe: {  	_ =	swait.ge [sflag:s12], $0x2000  }
0xff: {  	[sflag:s12] =	ssyncset.done $0x0  }
0x100: {  	[sflag:s12] =	ssyncadd.s32 $0xFFFFE000  }
0x101: {  	[hbm4b:s24+s2] =	stream.linear.scatter [tilespmem:s9], [sflag:$0x3], $0x8000, $0x38;
	[tilespmem:$0x15000] =	vst v63  }
0x102: {  	_ =	swait.ge [sflag:s3], $0x8000  }
0x103: {  	[sflag:s3] =	ssyncset.done $0x0  }
0x104: {  	[sflag:s3] =	ssyncadd.s32 $0xFFFF8000  }
0x105: {  	[hbm4b:s25+s2] =	stream.linear.scatter [tilespmem:s10], [sflag:$0x3], $0x2000, $0x38;
	[tilespmem:$0x15000] =	vst v63  }
0x106: {  	_ =	swait.ge [sflag:s3], $0x2000  }
0x107: {  	[sflag:s3] =	ssyncset.done $0x0  }
0x108: {  	[sflag:s3] =	ssyncadd.s32 $0xFFFFE000  }
0x109: {  	[tilespmem:s9], [sflag:$0x1] =	stream.indirect.gather [hbm4b:s4+s5], $0x40, s26, s5, $0xb8;
	[tilespmem:$0x15000] =	vst v63  }
0x10a: {  	_ = 	snop  }
0x10b: {  	[tilespmem:s10], [sflag:$0x2] =	stream.indirect.gather [hbm4b:s7+s5], $0x10, s26, s5, $0xb8;
	[tilespmem:$0x15000] =	vst v63  }
0x10c: {  	_ =	swait.ge [sflag:s11], $0x8000  }
0x10d: {  	[sflag:s11] =	ssyncset.done $0x0  }
0x10e: {  	[sflag:s11] =	ssyncadd.s32 $0xFFFF8000  }
0x10f: {  	_ =	swait.ge [sflag:s12], $0x2000  }
0x110: {  	[sflag:s12] =	ssyncset.done $0x0  }
0x111: {  	[sflag:s12] =	ssyncadd.s32 $0xFFFFE000  }
0x112: {  	[hbm4b:s28+s2] =	stream.linear.scatter [tilespmem:s6], [sflag:$0x3], $0x8000, $0x38;
	[tilespmem:$0x15000] =	vst v63  }
0x113: {  	_ =	swait.ge [sflag:s3], $0x8000  }
0x114: {  	[sflag:s3] =	ssyncset.done $0x0  }
0x115: {  	[sflag:s3] =	ssyncadd.s32 $0xFFFF8000  }
0x116: {  	[hbm4b:s29+s2] =	stream.linear.scatter [tilespmem:s8], [sflag:$0x3], $0x2000, $0x38;
	[tilespmem:$0x15000] =	vst v63  }
0x117: {  	_ =	swait.ge [sflag:s3], $0x2000  }
0x118: {  	[sflag:s3] =	ssyncset.done $0x0  }
0x119: {  	[sflag:s3] =	ssyncadd.s32 $0xFFFFE000  }
0x11a: {  	_ =	swait.ge [sflag:s11], $0x8000  }
0x11b: {  	[sflag:s11] =	ssyncset.done $0x0  }
0x11c: {  	[sflag:s11] =	ssyncadd.s32 $0xFFFF8000  }
0x11d: {  	_ =	swait.ge [sflag:s12], $0x2000  }
0x11e: {  	[sflag:s12] =	ssyncset.done $0x0  }
0x11f: {  	p0 =	sne.s32 s1, $0x1;
	[sflag:s12] =	ssyncadd.s32 $0xFFFFE000  }
0x120: {  	[hbm4b:s30+s2] =	stream.linear.scatter [tilespmem:s9], [sflag:$0x3], $0x8000, $0x38;
	[tilespmem:$0x15000] =	vst v63  }
.Ltmp1:
0x121: {  	_ =	swait.ge [sflag:s3], $0x8000;
	(pc) =	sbr.rel @p0 .LBB2_1-.Ltmp1, $4  }
0x122: {  	[sflag:s3] =	ssyncset.done $0x0  }
0x123: {  	[sflag:s3] =	ssyncadd.s32 $0xFFFF8000  }
0x124: {  	[hbm4b:s31+s2] =	stream.linear.scatter [tilespmem:s10], [sflag:$0x3], $0x2000, $0x38;
	[tilespmem:$0x15000] =	vst v63  }
0x125: {  	s1 =	sadd.s32 $0xFFFFFFFF, s1;
	_ =	swait.ge [sflag:s3], $0x2000  }
.LBB2_2:
0x126: {  	[sflag:s3] =	ssyncset.done $0x0  }
0x127: {  	[sflag:s3] =	ssyncadd.s32 $0xFFFFE000  }
0x128: {  	_ =	sfence.sel $0x180000  }
0x129: {  	[bflag:$0x0] =	sbarrier.arrive $0xFFFF  }
0x12a: {  	_ =	strace $0x90000047  }
0x12b: {  	s0 =	stileid.u32;
	[bflag:$0x2] =	sbarrier.arrive $0xFFFF  }
0x12c: {  	p0 =	sne.s32 s0, $0x0;
	s0 =	rddreg [dreg:$0x2]  }
0x12d: {  	s0 =	sadd.s32 @!p0 $0x100000, s0  }
0x12e: {  	[sflag:s0] =	ssyncadd.tile.s32 @!p0 $0x1;
	_ =	shalt  }
.Lfunc_end2:
_tile_overlayer_lowered:
.L_overlay_start_2:
0x12f: {  	(tag) =	ssettag $0x2  }
0x130: {  	s0 =	rddreg [dreg:$0x0];
	s2 =	stileid.u32  }
0x131: {  	s1 =	rddreg [dreg:$0x1];
	p0 =	sne.s32 s2, $0x0  }
0x132: {  	s3 =	rddreg [dreg:$0x2];
	[bflag:$0x3] =	sbarrier.arrive $0xFFFF;
	s2 =	simm.s32 @!p0 $0x1C03  }
0x133: {  	[timem:s3], [sflag:s2] =	dma.local @!p0 [hbm:s0], s1  }
0x134: {  	s0 =	simm.s32 @!p0 $0x3  }
0x135: {  	_ =	swait.ge @!p0 [sflag:s0], s1  }
0x136: {  	s1 =	ssub.s32 @!p0 $0x0, s1;
	[sflag:s0] =	ssyncset.done @!p0 $0x0  }
0x137: {  	[sflag:s0] =	ssyncadd.s32 @!p0 s1  }
0x138: {  	[bflag:$0x3] =	sbarrier.arrive $0xFFFF  }
0x139: {  	_ =	shalt  }

// kernel: sparse-core-data-format-call.cloned.1.call-start
scs
called_computation_lowered:
.L_overlay_start_0:
0x0: {  	s1 =	sld [smem:$0x3FD9]  }
0x1: {  	s2 =	sld [smem:$0x3FFE];
	_ =	sdelay $0x1  }
0x2: {  	s3 =	srdreg.scid  }
0x3: {  	s0 =	sand.u32 $0x1, s3  }
0x4: {  	s17 =	sshll.u32 s0, $0xA;
	s1 =	sadd.s32 s2, s1  }
0x5: {  	s1 =	sadd.s32 s1, s17  }
0x6: {  	[smem:$0x3FC6] =	sst s1  }
0x7: {  	_ = 	snop  }
0x8: {  	(tm) =	ssettm $0x1  }
0x9: {  	s18 =	sld [smem:$0x3FFB];
	_ =	sdelay $0x3  }
0xa: {  	_ =	strace s18  }
0xb: {  	s1 =	sld [smem:$0x3FFC];
	_ =	sdelay $0x3  }
0xc: {  	_ =	strace s1  }
0xd: {  	s1 =	sld [smem:$0x3FFD];
	_ =	sdelay $0x3  }
0xe: {  	_ =	strace s1  }
0xf: {  	_ =	strace $0x8FFFFFFF  }
0x10: {  	s19 =	sld [smem:$0x3FDB];
	_ =	sdelay $0x1  }
0x11: {  	s20 =	simm.s32 $_scs_section_size  }
0x12: {  	s4 =	simm.s32 $_size__tile_overlayer_lowered;
	s5 =	simm.s32 $_tile_overlayer_lowered  }
0x13: {  	s23 =	simm.s32 $0x1BFF;
	s22 =	sshll.u32 s5, $0x1;
	s1 =	sadd.s32 s20, s19  }
0x14: {  	s6 =	simm.s32 $0x0;
	s21 =	sshll.u32 s4, $0x1;
	s4 =	sadd.s32 s22, s1  }
0x15: {  	[timem:s6], [sflag:s23] =	dma.local [hbm:s4], s21  }
0x16: {  	_ =	swait.ge [sflag:s23], s21  }
0x17: {  	s2 =	ssub.s32 $0x0, s21;
	[sflag:s23] =	ssyncset.done $0x0  }
0x18: {  	[sflag:s23] =	ssyncadd.s32 s2;
	_ =	sdelay $0x1  }
0x19: {  	s24 =	simm.s32 $0x1B8B  }
0x1a: {  	_ =	swait.ge [sflag:s24], $0x1  }
0x1b: {  	[sflag:s24] =	ssyncset.done $0x0  }
0x1c: {  	s26 =	simm.s32 $0x1B8E;
	s25 =	sld [smem:$0x3FFE];
	[sflag:s24] =	ssyncadd.s32 $0xFFFFFFFF  }
0x1d: {  	s27 =	simm.s32 $execute0_lowered;
	[smem:$0x3FD2] =	sst s26  }
0x1e: {  	s4 =	sshll.u32 s27, $0x1;
	_ =	strace $0x80000049;
	[dreg:$0x1] =	wrdreg $0xFFFFFFFF  }
0x1f: {  	s28 =	simm.s32 $_size_execute0_lowered;
	s1 =	sadd.s32 s1, s4;
	[dreg:$0x0] =	wrdreg $0x0  }
0x20: {  	s4 =	sshll.u32 s28, $0x1;
	[dreg:$0x2] =	wrdreg s1  }
0x21: {  	[dreg:$0x3] =	wrdreg s4  }
0x22: {  	[dreg:$0x4] =	wrdreg $0xC0  }
0x23: {  	_ =	task [dreg:s6], $0x5FFFF  }
0x24: {  	[dreg:$0x1] =	wrdreg $0xFFFFFFFF  }
0x25: {  	[dreg:$0x0] =	wrdreg $0x60  }
0x26: {  	[dreg:$0x2] =	wrdreg s25  }
0x27: {  	[dreg:$0x3] =	wrdreg $0x9  }
0x28: {  	_ =	task.clear_ibuf [dreg:s6], $0x4FFFF;
	_ =	strace $0x90000049  }
0x29: {  	s29 =	simm.s32 $0x9;
	_ =	strace $0x8000004B  }
0x2a: {  	_ =	swait.ge [sflag:s29], $0x1  }
0x2b: {  	[sflag:s29] =	ssyncadd.s32 $0xFFFFFFFF  }
0x2c: {  	_ =	strace $0x9000004B  }
0x2d: {  	_ =	sfence  }
0x2e: {  	s30 =	sld [smem:$0x0];
	_ =	sdelay $0x2  }
0x2f: {  	s31 =	sshll.u32 s3, $0xD;
	s3 =	sshrl.u32 s3, $0x2  }
0x30: {  	s2 =	sand.u32 $0x4000, s31;
	s1 =	sadd.s32 s3, s30  }
0x31: {  	s0 =	sor.u32 s2, s0;
	s1 =	sshll.u32 s1, $0x11  }
0x32: {  	s0 =	sor.u32 s1, s0  }
0x33: {  	s0 =	sadd.s32 $0x8F2B, s0  }
0x34: {  	[sflag:s0] =	ssyncadd.remote.s32 $0x1  }
0x35: {  	_ =	sfence.sel $0xFFFF  }
0x36: {  	[dreg:$0x0] =	wrdreg $0xFFFFFFFF;
	(pc) =	sbr.abs _section_cstart, $3  }
0x37: {  	[dreg:$0x1] =	wrdreg $0xFFFFFFFF  }
0x38: {  	_ =	task.clear_ibuf [dreg:s6], $0x2FFFF;
	_ =	strace $0x9FFFFFFF  }
0x39: {  	(tm) =	ssettm $0x7FFFFFFF  }
tec
execute0_lowered:
.L_overlay_start_1:
0x0: {  	(tag) =	ssettag $0x1  }
0x1: {  	s0 =	stileid.u32;
	s9 =	rddreg [dreg:$0x0]  }
0x2: {  	s1 =	rddreg [dreg:$0x1];
	s3 =	srdreg.scid;
	s11 =	simm.s32 $0x1  }
0x3: {  	_ =	strace $0x8000004A;
	s31 =	simm.s32 $0x2;
	s18 =	simm.s32 $0x0  }
0x4: {  	s16 =	simm.s32 $0x0;
	s17 =	simm.s32 $0x0;
	s2 =	sshll.u32 s0, $0x5  }
0x5: {  	s15 =	simm.s32 $0x0;
	s4 =	sshll.u32 s0, $0x1;
	s2 =	sand.u32 $0x180, s2  }
0x6: {  	s3 =	sand.u32 $0x1, s3;
	s4 =	sand.u32 $0x6, s4;
	s5 =	ssub.s32 $0x200, s2  }
0x7: {  	s10 =	ssub.s32 $0x20, s3;
	s12 =	smov.u32 s3;
	s6 =	sand.u32 $0x180, s5  }
0x8: {  	s7 =	ssub.s32 $0x8, s4;
	p0 =	sne.s32 s6, $0x0;
	s6 =	simm.s32 $0x1  }
0x9: {  	s29 =	sshrl.u32 s10, $0x1;
	s5 =	sshrl.u32 s5, $0x9;
	s6 =	simm.s32 @!p0 $0x0  }
0xa: {  	s8 =	sand.u32 $0x6, s7;
	s30 =	ssub.s32 s10, s29;
	s5 =	sadd.s32 s6, s5  }
0xb: {  	s13 =	smov.u32 s2;
	p0 =	sne.s32 s8, $0x0;
	s8 =	smul.u32 s30, s5  }
.Ltmp0:
0xc: {  	s7 =	sshrl.u32 s7, $0x3;
	s11 =	simm.s32 @!p0 $0x0;
	(pc) =	sbr.rel .LBB1_1-.Ltmp0, $4  }
0xd: {  	s14 =	smov.u32 s4;
	s6 =	simm.s32 $0x1;
	s7 =	sadd.s32 s11, s7  }
0xe: {  	p0 =	por $0x0, $0x0;
	[sflag:s6] =	ssyncpa.u1 $0x0;
	s7 =	smul.u32 s7, s8  }
0xf: {  	s5 =	sadd.s32 $0xC7800, s9;
	s11 =	simm.s32 $0x4000;
	[sflag:s31] =	ssyncpa.u1 $0x0  }
0x10: {  	s8 =	sadd.s32 $0x2C7800, s9;
	s9 =	sadd.s32 $0x107800, s9;
	s10 =	sadd.s32 $0x1, s7  }
.LBB1_7:
0x11: {  	s19 =	sadd.s32 $0x2, s12  }
0x12: {  	s16 =	sadd.s32 $0x200, s13;
	s20 =	smov.u32 s13;
	p2 =	sgt.s32 s19, $0x1F  }
0x13: {  	s20 =	smov.u32 @p2 s16  }
0x14: {  	s22 =	smov.u32 s14;
	s16 =	sadd.s32 $0x8, s14;
	p3 =	sgt.s32 s20, $0x1FF  }
0x15: {  	s22 =	smov.u32 @p3 s16  }
0x16: {  	s19 =	smov.u32 @p2 s3;
	p2 =	sgt.s32 s22, $0x7  }
0x17: {  	p1 =	slt.u32 s15, $0x2;
	s22 =	smov.u32 @p2 s4;
	p2 =	sne.s32 s15, s10  }
.Ltmp1:
0x18: {  	s21 =	simm.s32 @!p1 $0x2;
	(pc) =	sbr.rel @!p2 .LBB1_8-.Ltmp1, $4  }
0x19: {  	s18 =	smov.u32 s12;
	s17 =	smov.u32 s14;
	_ =	swait.ge @!p1 [sflag:s21], $0x4000  }
0x1a: {  	p0 =	por !p0, !p0;
	[sflag:s21] =	ssyncset.done @!p1 $0x0;
	s12 =	smov.u32 s19  }
0x1b: {  	s20 =	smov.u32 @p3 s2;
	s16 =	smov.u32 s13;
	[sflag:s21] =	ssyncadd.s32 @!p1 $0xFFFFC000  }
0x1c: {  	s13 =	smov.u32 s20;
	s15 =	sadd.s32 $0x1, s15;
	s14 =	smov.u32 s22  }
.LBB1_1:
0x1d: {  	p1 =	sge.u32 s15, s7  }
0x1e: {  	s19 =	sxor.u32 @!p1 $0xFFFFFFFF, s15;
	s20 =	sshll.u32 @!p1 s14, $0x12  }
0x1f: {  	s21 =	sshll.u32 @!p1 s13, $0x9;
	s23 =	sshll.u32 @!p1 s12, $0x4;
	s24 =	simm.s32 @!p1 $0x40  }
0x20: {  	s25 =	simm.s32 @!p1 $0x1000;
	s19 =	sshll.u32 @!p1 s19, $0xE;
	s22 =	sadd.s32 @!p1 s20, s21  }
0x21: {  	s23 =	sand.u32 @!p1 $0x1F0, s23;
	s20 =	sadd.s32 @!p1 s20, s9;
	s22 =	sadd.s32 @!p1 s5, s22  }
0x22: {  	s19 =	sand.u32 @!p1 $0x4000, s19;
	s20 =	sadd.s32 @!p1 s21, s20;
	s22 =	sadd.s32 @!p1 s23, s22  }
0x23: {  	[tilespmem:s19], [sflag:$0x1] =	stream.strided.gather @!p1 [hbm4b:s22+s24], $0x2000, s25, s24, $0x38;
	[tilespmem:$0x10100] =	vst v63  }
0x24: {  	s31 =	sadd.s32 $0xFFFFFFFF, s15;
	s20 =	sadd.s32 @!p1 s23, s20;
	s19 =	sor.u32 @!p1 $0x2000, s19  }
0x25: {  	[tilespmem:s19], [sflag:$0x1] =	stream.strided.gather @!p1 [hbm4b:s20+s24], $0x2000, s25, s24, $0x38;
	[tilespmem:$0x10100] =	vst v63  }
0x26: {  	p1 =	sge.u32 s31, s7  }
.Ltmp2:
0x27: {  	_ = 	snop;
	(pc) =	sbr.rel @p1 .LBB1_7-.Ltmp2, $1  }
0x28: {  	_ =	sdelay $0x3  }
0x29: {  	s19 =	simm.s32 $0x1;
	s21 =	sand.u32 $0x1, s15  }
0x2a: {  	_ =	swait.ge [sflag:s6], $0x4000;
	s19 =	simm.s32 @!p0 $0x0;
	s21 =	smul.u32 $0x10200, s21  }
0x2b: {  	p2 =	por $0x1, $0x1;
	[sflag:s6] =	ssyncset.done $0x0;
	s20 =	smul.u32 $0x10200, s19  }
0x2c: {  	s22 =	sshll.u32 s19, $0x10;
	[sflag:s6] =	ssyncadd.s32 $0xFFFFC000;
	s30 =	sshrl.u32 s21, $0x2  }
0x2d: {  	s31 =	sshrl.u32 s22, $0x2;
	s22 =	simm.s32 $0x0;
	s20 =	sshrl.u32 s20, $0x2  }
0x2e: {  	s19 =	sor.u32 $0x8000, s30;
	s21 =	sadd.s32 $0x20, s31;
	s20 =	sor.u32 $0x8000, s20  }
.LBB1_3:
0x2f: {  	s23 =	sshll.u32 s22, $0xD  }
0x30: {  	s23 =	sand.u32 $0x3FFFE000, s23  }
0x31: {  	s25 =	sadd.s32 s23, s21  }
0x32: {  	s31 =	smul.u32 $0x8100, s22;
	v3 =	vld [tilespmem:s25+$0x10]  }
0x33: {  	v1 =	vld [tilespmem:s25+$0xFFFFFFF0]  }
0x34: {  	s22 =	sshra.s32 s31, $0x2;
	v0 =	vld [tilespmem:s25+$0x0]  }
0x35: {  	s22 =	sadd.s32 s22, s20;
	v2 =	vld [tilespmem:s25+$0xFFFFFFE0]  }
0x36: {  	s23 =	sadd.s32 $0x0, s22  }
0x37: {  	p1 =	por p2, p2;
	s24 =	simm.s32 $0x4;
	s25 =	sadd.s32 $0x40, s25;
	[tilespmem:s23+$0x1830 ss:$0x81] =	vst.msk $0xffff, v3  }
.LBB1_4:
0x38: {  	v3 =	vld [tilespmem:s25+$0x10];
	p2 =	sne.s32 s24, $0x1FC;
	[tilespmem:s23+$0x810 ss:$0x81] =	vst.msk $0xffff, v1;
	s26 =	smov.u32 s24;
	s24 =	sadd.s32 $0x4, s24  }
.Ltmp3:
0x39: {  	v1 =	vld [tilespmem:s25+$0xFFFFFFF0];
	[tilespmem:s23+$0x1020 ss:$0x81] =	vst.msk $0xffff, v0;
	(pc) =	sbr.rel @p2 .LBB1_4-.Ltmp3, $4  }
0x3a: {  	v0 =	vld [tilespmem:s25+$0x0];
	[tilespmem:s23+$0x0 ss:$0x81] =	vst.msk $0xffff, v2  }
0x3b: {  	s23 =	sshra.s32 s26, $0x2;
	v2 =	vld [tilespmem:s25+$0xFFFFFFE0]  }
0x3c: {  	s23 =	sadd.s32 s23, s22  }
0x3d: {  	s25 =	sadd.s32 $0x40, s25;
	[tilespmem:s23+$0x1830 ss:$0x81] =	vst.msk $0xffff, v3  }
.Ltmp4:
0x3e: {  	(pc) =	sbr.rel @p1 .LBB1_3-.Ltmp4, $4  }
0x3f: {  	_ = 	snop  }
0x40: {  	[tilespmem:s23+$0x810 ss:$0x81] =	vst.msk $0xffff, v1  }
0x41: {  	[tilespmem:s23+$0x1020 ss:$0x81] =	vst.msk $0xffff, v0  }
0x42: {  	s22 =	simm.s32 $0x1;
	p2 =	por $0x0, $0x0;
	[tilespmem:s23+$0x0 ss:$0x81] =	vst.msk $0xffff, v2  }
0x43: {  	s20 =	sshll.u32 s18, $0x9;
	s21 =	sshll.u32 s16, $0x3  }
0x44: {  	s29 =	sshll.u32 s18, $0x7;
	s22 =	sand.u32 $0x78, s16;
	s17 =	sshll.u32 s17, $0x11  }
0x45: {  	s31 =	sand.u32 $0x7, s16;
	s20 =	sand.u32 $0x3000, s20;
	s21 =	sand.u32 $0x3C00, s21  }
0x46: {  	s30 =	sand.u32 $0x200, s29;
	s18 =	sand.u32 $0x180, s29;
	s20 =	sadd.s32 s21, s20  }
.Ltmp5:
0x47: {  	s18 =	sor.u32 s22, s18;
	s20 =	sor.u32 s30, s20;
	(pc) =	sbr.rel .LBB1_7-.Ltmp5, $4  }
0x48: {  	s17 =	sadd.s32 s8, s17;
	s18 =	sshrl.u32 s18, $0x3;
	s20 =	sshrl.u32 s20, $0x3  }
0x49: {  	s16 =	sshll.u32 s31, $0x12;
	s17 =	sadd.s32 s18, s17;
	s20 =	sand.u32 $0x7C0, s20  }
0x4a: {  	s16 =	sor.u32 $0x80, s16;
	s17 =	sadd.s32 s20, s17  }
0x4b: {  	[hbm4b:s17+s16] =	stream.strided.scatter [tilespmem:s19], [sflag:$0x2], $0x4000, s11, s16, $0x20;
	[tilespmem:$0x10100] =	vst v63  }
.LBB1_8:
0x4c: {  	_ =	sfence.sel $0x180000  }
0x4d: {  	s2 =	simm.s32 $0x1;
	[bflag:$0x0] =	sbarrier.arrive $0xFFFF  }
0x4e: {  	s31 =	simm.s32 $0x2;
	[sflag:s2] =	ssyncpa.u1 $0x1  }
0x4f: {  	[sflag:s31] =	ssyncpa.u1 $0x1  }
0x50: {  	p0 =	sne.s32 s0, $0x0;
	_ =	strace $0x9000004A  }
0x51: {  	s0 =	sadd.s32 @!p0 $0x100000, s1;
	[bflag:$0x2] =	sbarrier.arrive $0xFFFF  }
0x52: {  	[sflag:s0] =	ssyncadd.tile.s32 @!p0 $0x1;
	_ =	shalt  }
.Lfunc_end1:
_tile_overlayer_lowered:
.L_overlay_start_2:
0x53: {  	(tag) =	ssettag $0x2  }
0x54: {  	s0 =	rddreg [dreg:$0x0];
	s2 =	stileid.u32  }
0x55: {  	s1 =	rddreg [dreg:$0x1];
	p0 =	sne.s32 s2, $0x0  }
0x56: {  	s3 =	rddreg [dreg:$0x2];
	[bflag:$0x3] =	sbarrier.arrive $0xFFFF;
	s2 =	simm.s32 @!p0 $0x1C01  }
0x57: {  	[timem:s3], [sflag:s2] =	dma.local @!p0 [hbm:s0], s1  }
0x58: {  	s0 =	simm.s32 @!p0 $0x1  }
0x59: {  	_ =	swait.ge @!p0 [sflag:s0], s1  }
0x5a: {  	s1 =	ssub.s32 @!p0 $0x0, s1;
	[sflag:s0] =	ssyncset.done @!p0 $0x0  }
0x5b: {  	[sflag:s0] =	ssyncadd.s32 @!p0 s1  }
0x5c: {  	[bflag:$0x3] =	sbarrier.arrive $0xFFFF  }
0x5d: {  	_ =	shalt  }

</sc_bundles>
